<compile_context>
chip_gen: v7x
topology: tpu7x:2x2x1
jax: 0.10.2.dev20260603
libtpu: 0.0.44.dev20260713+nightly
codegen_flags: <defaults>
</compile_context>

<pallas_src>
import jax
import jax.numpy as jnp
from jax import lax
from jax.experimental import pallas as pl
from jax.experimental.pallas import tpu as pltpu
from jax.experimental.pallas import tpu_sc as plsc

V = 100000
WIN = 5
B = 1024
L = 200
EMB = 32
NWIN = L - WIN + 1
OUT_ROW = NWIN * EMB
ROW = 256
WORD_OFF = WIN * EMB

NC, NS = 2, 16
NWORK = NC * NS
SEQ_PER_W = B // NWORK
SEQ_ALL = SEQ_PER_W * L

PREP_T = 4000


def _prep_body(r0, r1, r2, r3, r4, ww, out):
    for i, r in enumerate((r0, r1, r2, r3, r4)):
        out[:, EMB * i:EMB * (i + 1)] = r[...]
    out[:, WORD_OFF:WORD_OFF + EMB] = ww[...]


def _fuse_tables(W_region, W_word):
    grid = (V // PREP_T,)
    rspec = lambda i: pl.BlockSpec((PREP_T, EMB), lambda t: (i * (V // PREP_T) + t, 0))
    return pl.pallas_call(
        _prep_body,
        grid=grid,
        in_specs=[rspec(0), rspec(1), rspec(2), rspec(3), rspec(4),
                  pl.BlockSpec((PREP_T, EMB), lambda t: (t, 0))],
        out_specs=pl.BlockSpec((PREP_T, ROW), lambda t: (t, 0)),
        out_shape=jax.ShapeDtypeStruct((V, ROW), jnp.float32),
    )(W_region, W_region, W_region, W_region, W_region, W_word)


def _body(seq_hbm, tab_hbm, out_hbm, seq_all,
          rows0, rows1, out0, out1, sem0, sem1):
    bufs = ((rows0, out0, sem0), (rows1, out1, sem1))
    wid = lax.axis_index("s") * NC + lax.axis_index("c")

    pltpu.sync_copy(seq_hbm.at[pl.ds(wid * SEQ_ALL, SEQ_ALL)], seq_all)

    def issue(s, buf):
        rows, _, sem = buf
        pltpu.async_copy(tab_hbm.at[seq_all.at[pl.ds(s * L, L)]], rows, sem)

    def drain(s, buf):
        rows, _, sem = buf
        pltpu.make_async_copy(tab_hbm.at[seq_all.at[pl.ds(s * L, L)]], rows,
                              sem).wait()

    def compute(s, buf):
        rows, out, _ = buf

        @plsc.parallel_loop(0, NWIN, 1, unroll=4)
        def _win(p):
            w0 = rows[p + WIN // 2, pl.ds(WORD_OFF, 16)]
            w1 = rows[p + WIN // 2, pl.ds(WORD_OFF + 16, 16)]
            a0 = rows[p, pl.ds(0, 16)] * w0
            a1 = rows[p, pl.ds(16, 16)] * w1
            for i in range(1, WIN):
                a0 = jnp.maximum(a0, rows[p + i, pl.ds(i * EMB, 16)] * w0)
                a1 = jnp.maximum(a1, rows[p + i, pl.ds(i * EMB + 16, 16)] * w1)
            out[pl.ds(p * EMB, 16)] = a0
            out[pl.ds(p * EMB + 16, 16)] = a1

        pltpu.sync_copy(out, out_hbm.at[wid * SEQ_PER_W + s])

    issue(0, bufs[0])

    def outer(h, carry):
        for par in (0, 1):
            g = 2 * h + par

            @pl.when(g + 1 < SEQ_PER_W)
            def _():
                issue(g + 1, bufs[1 - par])

            drain(g, bufs[par])
            compute(g, bufs[par])
        return carry

    lax.fori_loop(0, SEQ_PER_W // 2, outer, 0)


@jax.jit
def _run(seq, W_region, W_word):
    tab = _fuse_tables(W_region, W_word)
    f = pl.kernel(
        _body,
        out_type=jax.ShapeDtypeStruct((B, NWIN * EMB), jnp.float32),
        mesh=plsc.VectorSubcoreMesh(
            core_axis_name="c", subcore_axis_name="s",
            num_cores=NC, num_subcores=NS),
        scratch_types=[
            pltpu.VMEM((SEQ_ALL,), jnp.int32),
            pltpu.VMEM((L, ROW), jnp.float32),
            pltpu.VMEM((L, ROW), jnp.float32),
            pltpu.VMEM((NWIN * EMB,), jnp.float32),
            pltpu.VMEM((NWIN * EMB,), jnp.float32),
            pltpu.SemaphoreType.DMA,
            pltpu.SemaphoreType.DMA,
        ],
    )
    out = f(seq.reshape(B * L), tab)
    return out.reshape(B, NWIN, EMB)


def kernel(seq, W_region, W_word):
    return _run(seq.astype(jnp.int32), W_region, W_word)

# --- scband reference (transcript-rebuilt; emitter-appended) ---
"""Pipeline reference for scband-context-word-region-embedding-layer-32667521254124 (READ-ONLY COPY).

The authoritative reference and input builder live on the scoring server;
editing this copy changes nothing except your own understanding.
"""

import jax, jax.numpy as jnp
import numpy as np

VOCAB = 100000
EMB = 32
WIN = 5
B = 1024
L = 200


def setup_inputs(seed: int = 0) -> dict:
    key = jax.random.key(seed)
    k1, k2, k3 = jax.random.split(key, 3)
    seq = jax.random.randint(k1, (B, L), 0, VOCAB)
    # Region-unit embedding table of super class: [vocab_size * win_size, emb_size]
    W_region = jax.random.normal(k2, (VOCAB * WIN, EMB), dtype=jnp.float32) * 0.02
    # Center word embedding table: [vocab_size, emb_size]
    W_word = jax.random.normal(k3, (VOCAB, EMB), dtype=jnp.float32) * 0.02
    return {"seq": seq, "W_region": W_region, "W_word": W_word}


def reference(seq, W_region, W_word):
    win_radius = WIN // 2
    nwin = L - WIN + 1  # number of window-aligned positions = L - 2*win_radius
    # WindowAlignmentLayer: sliding windows of size WIN over the sequence
    offs = jnp.arange(nwin)[:, None] + jnp.arange(WIN)[None, :]  # [nwin, WIN]
    windows = seq[:, offs]  # [B, nwin, WIN] gather of token ids
    # Add per-window-position unit id bias: i * vocab_size
    unit_id_bias = (jnp.arange(WIN) * VOCAB)[None, None, :]
    win_aligned_seq = windows + unit_id_bias  # [B, nwin, WIN]
    # Region unit embedding lookup in the [VOCAB*WIN, EMB] table
    win_aligned_unit = jnp.take(W_region, win_aligned_seq, axis=0)  # [B, nwin, WIN, EMB]
    # Center word embedding: seq[:, win_radius : L - win_radius]
    center = seq[:, win_radius:L - win_radius]  # [B, nwin]
    word_emb = jnp.take(W_word, center, axis=0)  # [B, nwin, EMB]
    word_emb = word_emb[:, :, None, :]  # expand dims at axis 2
    embedding = win_aligned_unit * word_emb  # [B, nwin, WIN, EMB]
    # win_merge_fn = max-pooling over the window axis (axis=2)
    embedding = jnp.max(embedding, axis=2)  # [B, nwin, EMB]
    return embedding

if __name__ == "__main__":
    import jax
    _d = setup_inputs()
    print(jax.jit(kernel)(*tuple(_d.values())))

</pallas_src>

<mosaic_0001>
#map = affine_map<(d0, d1) -> (0)>
#map1 = affine_map<(d0, d1) -> (0, 0)>
module attributes {stable_mosaic.version = 14 : i64} {
  func.func @_body(%arg0: i32, %arg1: i32, %arg2: memref<204800xi32, #tpu.memory_space<hbm>>, %arg3: memref<100000x256xf32, #tpu.memory_space<hbm>>, %arg4: memref<1024x6272xf32, #tpu.memory_space<hbm>>, %arg5: memref<6400xi32, #tpu.memory_space<vmem>>, %arg6: memref<200x256xf32, #tpu.memory_space<vmem>>, %arg7: memref<200x256xf32, #tpu.memory_space<vmem>>, %arg8: memref<6272xf32, #tpu.memory_space<vmem>>, %arg9: memref<6272xf32, #tpu.memory_space<vmem>>, %arg10: memref<!tpu.dma_semaphore, #tpu.memory_space<semaphore_mem>>, %arg11: memref<!tpu.dma_semaphore, #tpu.memory_space<semaphore_mem>>) attributes {dimension_semantics = [#tpu.dimension_semantics<core_parallel>, #tpu.dimension_semantics<subcore_parallel>], iteration_bounds = array<i64: 2, 16>, scalar_prefetch = 0 : i64, scratch_operands = 7 : i64, tpu.core_type = #tpu.core_type<sc_vector_subcore>, window_params = [{transform_indices = #map}, {transform_indices = #map1}, {transform_indices = #map1}]} {
    %mul3A = arith.constant 2 : i32
    %mul3A_0 = arith.muli %arg1, %mul3A : i32
    %add3A = arith.addi %mul3A_0, %arg0 : i32
    %mul3A_1 = arith.constant 6400 : i32
    %mul3A_2 = arith.muli %add3A, %mul3A_1 : i32
    "tpu.region"() ({
      %run_scoped3A = tpu.sem_alloc : memref<!tpu.dma_semaphore, #tpu.memory_space<semaphore_mem>>
      %dma_start3A_12 = tpu.memref_slice %arg2[%mul3A_2] : memref<204800xi32, #tpu.memory_space<hbm>> -> memref<6400xi32, #tpu.memory_space<hbm>>
      %dma_start3A_13 = tpu.memref_slice %arg2[%mul3A_2] : memref<204800xi32, #tpu.memory_space<hbm>> -> memref<6400xi32, #tpu.memory_space<hbm>>
      tpu.enqueue_dma source(%dma_start3A_13 : memref<6400xi32, #tpu.memory_space<hbm>>) target(%arg5 : memref<6400xi32, #tpu.memory_space<vmem>>) target_semaphore(%run_scoped3A : memref<!tpu.dma_semaphore, #tpu.memory_space<semaphore_mem>>)
      %dma_wait3A = tpu.memref_slice %arg2[%mul3A_2] : memref<204800xi32, #tpu.memory_space<hbm>> -> memref<6400xi32, #tpu.memory_space<hbm>>
      %dma_wait3A_14 = tpu.memref_slice %arg2[%mul3A_2] : memref<204800xi32, #tpu.memory_space<hbm>> -> memref<6400xi32, #tpu.memory_space<hbm>>
      tpu.wait_dma2 semaphore(%run_scoped3A : memref<!tpu.dma_semaphore, #tpu.memory_space<semaphore_mem>>) src(%dma_wait3A_14 : memref<6400xi32, #tpu.memory_space<hbm>>) dst(%arg5 : memref<6400xi32, #tpu.memory_space<vmem>>)
      tpu.yield
    }) : () -> ()
    %dma_start3A = arith.constant 0 : i32
    %dma_start3A_3 = tpu.memref_slice %arg5[%dma_start3A] : memref<6400xi32, #tpu.memory_space<vmem>> -> memref<200xi32, #tpu.memory_space<vmem>>
    %dma_start3A_4 = arith.constant 0 : i32
    %dma_start3A_5 = arith.constant 0 : i32
    %dma_start3A_6 = tpu.memref_slice %arg3[%dma_start3A_4, %dma_start3A_5] : memref<100000x256xf32, #tpu.memory_space<hbm>> -> memref<100000x256xf32, #tpu.memory_space<hbm>>
    tpu.enqueue_indirect_dma source(%dma_start3A_6 : memref<100000x256xf32, #tpu.memory_space<hbm>>) target(%arg6 : memref<200x256xf32, #tpu.memory_space<vmem>>) offsets(%dma_start3A_3 : memref<200xi32, #tpu.memory_space<vmem>>) semaphore(%arg10 : memref<!tpu.dma_semaphore, #tpu.memory_space<semaphore_mem>>)
    %scan3A = arith.constant 0 : i32
    %scan3A_7 = arith.constant 0 : i32
    %scan3A_8 = arith.constant 16 : i32
    %scan3A_9 = arith.addi %scan3A_7, %scan3A_8 : i32
    %scan3A_10 = arith.constant 1 : i32
    scf.for %scan3A_12 = %scan3A_7 to %scan3A_9 step %scan3A_10  : i32 {
      %mul3A_13 = arith.constant 2 : i32
      %mul3A_14 = arith.muli %mul3A_13, %scan3A_12 : i32
      %add3A_15 = arith.constant 0 : i32
      %add3A_16 = arith.addi %mul3A_14, %add3A_15 : i32
      %add3A_17 = arith.constant 1 : i32
      %add3A_18 = arith.addi %add3A_16, %add3A_17 : i32
      %lt3A = arith.constant 32 : i32
      %lt3A_19 = arith.cmpi slt, %add3A_18, %lt3A : i32
      %convert_element_type3A = arith.extui %lt3A_19 : i1 to i32
      %cond3A = arith.constant 0 : i32
      %cond3A_20 = arith.cmpi ne, %convert_element_type3A, %cond3A : i32
      scf.if %cond3A_20 {
        %add3A_54 = arith.constant 1 : i32
        %add3A_55 = arith.addi %add3A_16, %add3A_54 : i32
        %mul3A_56 = arith.constant 200 : i32
        %mul3A_57 = arith.muli %add3A_55, %mul3A_56 : i32
        %dma_start3A_58 = tpu.memref_slice %arg5[%mul3A_57] : memref<6400xi32, #tpu.memory_space<vmem>> -> memref<200xi32, #tpu.memory_space<vmem>>
        %dma_start3A_59 = arith.constant 0 : i32
        %dma_start3A_60 = arith.constant 0 : i32
        %dma_start3A_61 = tpu.memref_slice %arg3[%dma_start3A_59, %dma_start3A_60] : memref<100000x256xf32, #tpu.memory_space<hbm>> -> memref<100000x256xf32, #tpu.memory_space<hbm>>
        tpu.enqueue_indirect_dma source(%dma_start3A_61 : memref<100000x256xf32, #tpu.memory_space<hbm>>) target(%arg7 : memref<200x256xf32, #tpu.memory_space<vmem>>) offsets(%dma_start3A_58 : memref<200xi32, #tpu.memory_space<vmem>>) semaphore(%arg11 : memref<!tpu.dma_semaphore, #tpu.memory_space<semaphore_mem>>)
      } else {
      }
      %mul3A_21 = arith.constant 200 : i32
      %mul3A_22 = arith.muli %add3A_16, %mul3A_21 : i32
      %dma_wait3A = tpu.memref_slice %arg5[%mul3A_22] : memref<6400xi32, #tpu.memory_space<vmem>> -> memref<200xi32, #tpu.memory_space<vmem>>
      %dma_wait3A_23 = arith.constant 0 : i32
      %dma_wait3A_24 = arith.constant 0 : i32
      %dma_wait3A_25 = tpu.memref_slice %arg3[%dma_wait3A_23, %dma_wait3A_24] : memref<100000x256xf32, #tpu.memory_space<hbm>> -> memref<100000x256xf32, #tpu.memory_space<hbm>>
      tpu.wait_indirect_dma semaphore(%arg10 : memref<!tpu.dma_semaphore, #tpu.memory_space<semaphore_mem>>) src(%dma_wait3A_25 : memref<100000x256xf32, #tpu.memory_space<hbm>>) dst(%arg6 : memref<200x256xf32, #tpu.memory_space<vmem>>)
      %parallel_loop3A = arith.constant 0 : i32
      %parallel_loop3A_26 = arith.constant 196 : i32
      %parallel_loop3A_27 = arith.constant 1 : i32
      scf.for %parallel_loop3A_54 = %parallel_loop3A to %parallel_loop3A_26 step %parallel_loop3A_27  : i32 {
        %parallel_loop3A_55 = arith.constant 2 : i32
        %parallel_loop3A_56 = arith.addi %parallel_loop3A_54, %parallel_loop3A_55 : i32
        %parallel_loop3A_57 = arith.index_cast %parallel_loop3A_56 : i32 to index
        %parallel_loop3A_58 = arith.constant 160 : index
        %parallel_loop3A_59 = tpu.vector_load %arg6[%parallel_loop3A_57, %parallel_loop3A_58] {strides = array<i32>} : memref<200x256xf32, #tpu.memory_space<vmem>>, vector<1x16xf32>,
        %parallel_loop3A_60 = vector.shape_cast %parallel_loop3A_59 : vector<1x16xf32> to vector<16xf32>
        %parallel_loop3A_61 = arith.constant 2 : i32
        %parallel_loop3A_62 = arith.addi %parallel_loop3A_54, %parallel_loop3A_61 : i32
        %parallel_loop3A_63 = arith.index_cast %parallel_loop3A_62 : i32 to index
        %parallel_loop3A_64 = arith.constant 176 : index
        %parallel_loop3A_65 = tpu.vector_load %arg6[%parallel_loop3A_63, %parallel_loop3A_64] {strides = array<i32>} : memref<200x256xf32, #tpu.memory_space<vmem>>, vector<1x16xf32>,
        %parallel_loop3A_66 = vector.shape_cast %parallel_loop3A_65 : vector<1x16xf32> to vector<16xf32>
        %parallel_loop3A_67 = arith.index_cast %parallel_loop3A_54 : i32 to index
        %parallel_loop3A_68 = arith.constant 0 : index
        %parallel_loop3A_69 = tpu.vector_load %arg6[%parallel_loop3A_67, %parallel_loop3A_68] {strides = array<i32>} : memref<200x256xf32, #tpu.memory_space<vmem>>, vector<1x16xf32>,
        %parallel_loop3A_70 = vector.shape_cast %parallel_loop3A_69 : vector<1x16xf32> to vector<16xf32>
        %parallel_loop3A_71 = arith.mulf %parallel_loop3A_70, %parallel_loop3A_60 : vector<16xf32>
        %parallel_loop3A_72 = arith.index_cast %parallel_loop3A_54 : i32 to index
        %parallel_loop3A_73 = arith.constant 16 : index
        %parallel_loop3A_74 = tpu.vector_load %arg6[%parallel_loop3A_72, %parallel_loop3A_73] {strides = array<i32>} : memref<200x256xf32, #tpu.memory_space<vmem>>, vector<1x16xf32>,
        %parallel_loop3A_75 = vector.shape_cast %parallel_loop3A_74 : vector<1x16xf32> to vector<16xf32>
        %parallel_loop3A_76 = arith.mulf %parallel_loop3A_75, %parallel_loop3A_66 : vector<16xf32>
        %parallel_loop3A_77 = arith.constant 1 : i32
        %parallel_loop3A_78 = arith.addi %parallel_loop3A_54, %parallel_loop3A_77 : i32
        %parallel_loop3A_79 = arith.index_cast %parallel_loop3A_78 : i32 to index
        %parallel_loop3A_80 = arith.constant 32 : index
        %parallel_loop3A_81 = tpu.vector_load %arg6[%parallel_loop3A_79, %parallel_loop3A_80] {strides = array<i32>} : memref<200x256xf32, #tpu.memory_space<vmem>>, vector<1x16xf32>,
        %parallel_loop3A_82 = vector.shape_cast %parallel_loop3A_81 : vector<1x16xf32> to vector<16xf32>
        %parallel_loop3A_83 = arith.mulf %parallel_loop3A_82, %parallel_loop3A_60 : vector<16xf32>
        %parallel_loop3A_84 = arith.maximumf %parallel_loop3A_71, %parallel_loop3A_83 : vector<16xf32>
        %parallel_loop3A_85 = arith.constant 1 : i32
        %parallel_loop3A_86 = arith.addi %parallel_loop3A_54, %parallel_loop3A_85 : i32
        %parallel_loop3A_87 = arith.index_cast %parallel_loop3A_86 : i32 to index
        %parallel_loop3A_88 = arith.constant 48 : index
        %parallel_loop3A_89 = tpu.vector_load %arg6[%parallel_loop3A_87, %parallel_loop3A_88] {strides = array<i32>} : memref<200x256xf32, #tpu.memory_space<vmem>>, vector<1x16xf32>,
        %parallel_loop3A_90 = vector.shape_cast %parallel_loop3A_89 : vector<1x16xf32> to vector<16xf32>
        %parallel_loop3A_91 = arith.mulf %parallel_loop3A_90, %parallel_loop3A_66 : vector<16xf32>
        %parallel_loop3A_92 = arith.maximumf %parallel_loop3A_76, %parallel_loop3A_91 : vector<16xf32>
        %parallel_loop3A_93 = arith.constant 2 : i32
        %parallel_loop3A_94 = arith.addi %parallel_loop3A_54, %parallel_loop3A_93 : i32
        %parallel_loop3A_95 = arith.index_cast %parallel_loop3A_94 : i32 to index
        %parallel_loop3A_96 = arith.constant 64 : index
        %parallel_loop3A_97 = tpu.vector_load %arg6[%parallel_loop3A_95, %parallel_loop3A_96] {strides = array<i32>} : memref<200x256xf32, #tpu.memory_space<vmem>>, vector<1x16xf32>,
        %parallel_loop3A_98 = vector.shape_cast %parallel_loop3A_97 : vector<1x16xf32> to vector<16xf32>
        %parallel_loop3A_99 = arith.mulf %parallel_loop3A_98, %parallel_loop3A_60 : vector<16xf32>
        %parallel_loop3A_100 = arith.maximumf %parallel_loop3A_84, %parallel_loop3A_99 : vector<16xf32>
        %parallel_loop3A_101 = arith.constant 2 : i32
        %parallel_loop3A_102 = arith.addi %parallel_loop3A_54, %parallel_loop3A_101 : i32
        %parallel_loop3A_103 = arith.index_cast %parallel_loop3A_102 : i32 to index
        %parallel_loop3A_104 = arith.constant 80 : index
        %parallel_loop3A_105 = tpu.vector_load %arg6[%parallel_loop3A_103, %parallel_loop3A_104] {strides = array<i32>} : memref<200x256xf32, #tpu.memory_space<vmem>>, vector<1x16xf32>,
        %parallel_loop3A_106 = vector.shape_cast %parallel_loop3A_105 : vector<1x16xf32> to vector<16xf32>
        %parallel_loop3A_107 = arith.mulf %parallel_loop3A_106, %parallel_loop3A_66 : vector<16xf32>
        %parallel_loop3A_108 = arith.maximumf %parallel_loop3A_92, %parallel_loop3A_107 : vector<16xf32>
        %parallel_loop3A_109 = arith.constant 3 : i32
        %parallel_loop3A_110 = arith.addi %parallel_loop3A_54, %parallel_loop3A_109 : i32
        %parallel_loop3A_111 = arith.index_cast %parallel_loop3A_110 : i32 to index
        %parallel_loop3A_112 = arith.constant 96 : index
        %parallel_loop3A_113 = tpu.vector_load %arg6[%parallel_loop3A_111, %parallel_loop3A_112] {strides = array<i32>} : memref<200x256xf32, #tpu.memory_space<vmem>>, vector<1x16xf32>,
        %parallel_loop3A_114 = vector.shape_cast %parallel_loop3A_113 : vector<1x16xf32> to vector<16xf32>
        %parallel_loop3A_115 = arith.mulf %parallel_loop3A_114, %parallel_loop3A_60 : vector<16xf32>
        %parallel_loop3A_116 = arith.maximumf %parallel_loop3A_100, %parallel_loop3A_115 : vector<16xf32>
        %parallel_loop3A_117 = arith.constant 3 : i32
        %parallel_loop3A_118 = arith.addi %parallel_loop3A_54, %parallel_loop3A_117 : i32
        %parallel_loop3A_119 = arith.index_cast %parallel_loop3A_118 : i32 to index
        %parallel_loop3A_120 = arith.constant 112 : index
        %parallel_loop3A_121 = tpu.vector_load %arg6[%parallel_loop3A_119, %parallel_loop3A_120] {strides = array<i32>} : memref<200x256xf32, #tpu.memory_space<vmem>>, vector<1x16xf32>,
        %parallel_loop3A_122 = vector.shape_cast %parallel_loop3A_121 : vector<1x16xf32> to vector<16xf32>
        %parallel_loop3A_123 = arith.mulf %parallel_loop3A_122, %parallel_loop3A_66 : vector<16xf32>
        %parallel_loop3A_124 = arith.maximumf %parallel_loop3A_108, %parallel_loop3A_123 : vector<16xf32>
        %parallel_loop3A_125 = arith.constant 4 : i32
        %parallel_loop3A_126 = arith.addi %parallel_loop3A_54, %parallel_loop3A_125 : i32
        %parallel_loop3A_127 = arith.index_cast %parallel_loop3A_126 : i32 to index
        %parallel_loop3A_128 = arith.constant 128 : index
        %parallel_loop3A_129 = tpu.vector_load %arg6[%parallel_loop3A_127, %parallel_loop3A_128] {strides = array<i32>} : memref<200x256xf32, #tpu.memory_space<vmem>>, vector<1x16xf32>,
        %parallel_loop3A_130 = vector.shape_cast %parallel_loop3A_129 : vector<1x16xf32> to vector<16xf32>
        %parallel_loop3A_131 = arith.mulf %parallel_loop3A_130, %parallel_loop3A_60 : vector<16xf32>
        %parallel_loop3A_132 = arith.maximumf %parallel_loop3A_116, %parallel_loop3A_131 : vector<16xf32>
        %parallel_loop3A_133 = arith.constant 4 : i32
        %parallel_loop3A_134 = arith.addi %parallel_loop3A_54, %parallel_loop3A_133 : i32
        %parallel_loop3A_135 = arith.index_cast %parallel_loop3A_134 : i32 to index
        %parallel_loop3A_136 = arith.constant 144 : index
        %parallel_loop3A_137 = tpu.vector_load %arg6[%parallel_loop3A_135, %parallel_loop3A_136] {strides = array<i32>} : memref<200x256xf32, #tpu.memory_space<vmem>>, vector<1x16xf32>,
        %parallel_loop3A_138 = vector.shape_cast %parallel_loop3A_137 : vector<1x16xf32> to vector<16xf32>
        %parallel_loop3A_139 = arith.mulf %parallel_loop3A_138, %parallel_loop3A_66 : vector<16xf32>
        %parallel_loop3A_140 = arith.maximumf %parallel_loop3A_124, %parallel_loop3A_139 : vector<16xf32>
        %parallel_loop3A_141 = arith.constant 32 : i32
        %parallel_loop3A_142 = arith.muli %parallel_loop3A_54, %parallel_loop3A_141 : i32
        %parallel_loop3A_143 = arith.index_cast %parallel_loop3A_142 : i32 to index
        %parallel_loop3A_144 = tpu.vector_load %arg8[%parallel_loop3A_143] {strides = array<i32>} : memref<6272xf32, #tpu.memory_space<vmem>>, vector<16xf32>,
        %parallel_loop3A_145 = vector.shape_cast %parallel_loop3A_144 : vector<16xf32> to vector<16xf32>
        %parallel_loop3A_146 = vector.shape_cast %parallel_loop3A_132 : vector<16xf32> to vector<16xf32>
        tpu.vector_store %arg8[%parallel_loop3A_143], %parallel_loop3A_146 {strides = array<i32>} : memref<6272xf32, #tpu.memory_space<vmem>>, vector<16xf32>,
        %parallel_loop3A_147 = arith.constant 32 : i32
        %parallel_loop3A_148 = arith.muli %parallel_loop3A_54, %parallel_loop3A_147 : i32
        %parallel_loop3A_149 = arith.constant 16 : i32
        %parallel_loop3A_150 = arith.addi %parallel_loop3A_148, %parallel_loop3A_149 : i32
        %parallel_loop3A_151 = arith.index_cast %parallel_loop3A_150 : i32 to index
        %parallel_loop3A_152 = tpu.vector_load %arg8[%parallel_loop3A_151] {strides = array<i32>} : memref<6272xf32, #tpu.memory_space<vmem>>, vector<16xf32>,
        %parallel_loop3A_153 = vector.shape_cast %parallel_loop3A_152 : vector<16xf32> to vector<16xf32>
        %parallel_loop3A_154 = vector.shape_cast %parallel_loop3A_140 : vector<16xf32> to vector<16xf32>
        tpu.vector_store %arg8[%parallel_loop3A_151], %parallel_loop3A_154 {strides = array<i32>} : memref<6272xf32, #tpu.memory_space<vmem>>, vector<16xf32>,
      } {sc.loop_unroll_factor = 4 : i64, sc.parallel_access}
      %mul3A_28 = arith.constant 32 : i32
      %mul3A_29 = arith.muli %add3A, %mul3A_28 : i32
      %add3A_30 = arith.addi %mul3A_29, %add3A_16 : i32
      "tpu.region"() ({
        %run_scoped3A = tpu.sem_alloc : memref<!tpu.dma_semaphore, #tpu.memory_space<semaphore_mem>>
        %dma_start3A_54 = arith.constant 0 : i32
        %dma_start3A_55 = tpu.memref_slice %arg4[%add3A_30, %dma_start3A_54] : memref<1024x6272xf32, #tpu.memory_space<hbm>> -> memref<1x6272xf32, #tpu.memory_space<hbm>>
        %dma_start3A_56 = tpu.memref_squeeze %dma_start3A_55 : memref<1x6272xf32, #tpu.memory_space<hbm>> -> memref<6272xf32, #tpu.memory_space<hbm>>
        %dma_start3A_57 = arith.constant 0 : i32
        %dma_start3A_58 = tpu.memref_slice %arg4[%add3A_30, %dma_start3A_57] : memref<1024x6272xf32, #tpu.memory_space<hbm>> -> memref<1x6272xf32, #tpu.memory_space<hbm>>
        %dma_start3A_59 = tpu.memref_squeeze %dma_start3A_58 : memref<1x6272xf32, #tpu.memory_space<hbm>> -> memref<6272xf32, #tpu.memory_space<hbm>>
        tpu.enqueue_dma source(%arg8 : memref<6272xf32, #tpu.memory_space<vmem>>) target(%dma_start3A_59 : memref<6272xf32, #tpu.memory_space<hbm>>) target_semaphore(%run_scoped3A : memref<!tpu.dma_semaphore, #tpu.memory_space<semaphore_mem>>)
        %dma_wait3A_60 = arith.constant 0 : i32
        %dma_wait3A_61 = tpu.memref_slice %arg4[%add3A_30, %dma_wait3A_60] : memref<1024x6272xf32, #tpu.memory_space<hbm>> -> memref<1x6272xf32, #tpu.memory_space<hbm>>
        %dma_wait3A_62 = tpu.memref_squeeze %dma_wait3A_61 : memref<1x6272xf32, #tpu.memory_space<hbm>> -> memref<6272xf32, #tpu.memory_space<hbm>>
        %dma_wait3A_63 = arith.constant 0 : i32
        %dma_wait3A_64 = tpu.memref_slice %arg4[%add3A_30, %dma_wait3A_63] : memref<1024x6272xf32, #tpu.memory_space<hbm>> -> memref<1x6272xf32, #tpu.memory_space<hbm>>
        %dma_wait3A_65 = tpu.memref_squeeze %dma_wait3A_64 : memref<1x6272xf32, #tpu.memory_space<hbm>> -> memref<6272xf32, #tpu.memory_space<hbm>>
        tpu.wait_dma2 semaphore(%run_scoped3A : memref<!tpu.dma_semaphore, #tpu.memory_space<semaphore_mem>>) src(%arg8 : memref<6272xf32, #tpu.memory_space<vmem>>) dst(%dma_wait3A_65 : memref<6272xf32, #tpu.memory_space<hbm>>)
        tpu.yield
      }) : () -> ()
      %mul3A_31 = arith.constant 2 : i32
      %mul3A_32 = arith.muli %mul3A_31, %scan3A_12 : i32
      %add3A_33 = arith.constant 1 : i32
      %add3A_34 = arith.addi %mul3A_32, %add3A_33 : i32
      %add3A_35 = arith.constant 1 : i32
      %add3A_36 = arith.addi %add3A_34, %add3A_35 : i32
      %lt3A_37 = arith.constant 32 : i32
      %lt3A_38 = arith.cmpi slt, %add3A_36, %lt3A_37 : i32
      %convert_element_type3A_39 = arith.extui %lt3A_38 : i1 to i32
      %cond3A_40 = arith.constant 0 : i32
      %cond3A_41 = arith.cmpi ne, %convert_element_type3A_39, %cond3A_40 : i32
      scf.if %cond3A_41 {
        %add3A_54 = arith.constant 1 : i32
        %add3A_55 = arith.addi %add3A_34, %add3A_54 : i32
        %mul3A_56 = arith.constant 200 : i32
        %mul3A_57 = arith.muli %add3A_55, %mul3A_56 : i32
        %dma_start3A_58 = tpu.memref_slice %arg5[%mul3A_57] : memref<6400xi32, #tpu.memory_space<vmem>> -> memref<200xi32, #tpu.memory_space<vmem>>
        %dma_start3A_59 = arith.constant 0 : i32
        %dma_start3A_60 = arith.constant 0 : i32
        %dma_start3A_61 = tpu.memref_slice %arg3[%dma_start3A_59, %dma_start3A_60] : memref<100000x256xf32, #tpu.memory_space<hbm>> -> memref<100000x256xf32, #tpu.memory_space<hbm>>
        tpu.enqueue_indirect_dma source(%dma_start3A_61 : memref<100000x256xf32, #tpu.memory_space<hbm>>) target(%arg6 : memref<200x256xf32, #tpu.memory_space<vmem>>) offsets(%dma_start3A_58 : memref<200xi32, #tpu.memory_space<vmem>>) semaphore(%arg10 : memref<!tpu.dma_semaphore, #tpu.memory_space<semaphore_mem>>)
      } else {
      }
      %mul3A_42 = arith.constant 200 : i32
      %mul3A_43 = arith.muli %add3A_34, %mul3A_42 : i32
      %dma_wait3A_44 = tpu.memref_slice %arg5[%mul3A_43] : memref<6400xi32, #tpu.memory_space<vmem>> -> memref<200xi32, #tpu.memory_space<vmem>>
      %dma_wait3A_45 = arith.constant 0 : i32
      %dma_wait3A_46 = arith.constant 0 : i32
      %dma_wait3A_47 = tpu.memref_slice %arg3[%dma_wait3A_45, %dma_wait3A_46] : memref<100000x256xf32, #tpu.memory_space<hbm>> -> memref<100000x256xf32, #tpu.memory_space<hbm>>
      tpu.wait_indirect_dma semaphore(%arg11 : memref<!tpu.dma_semaphore, #tpu.memory_space<semaphore_mem>>) src(%dma_wait3A_47 : memref<100000x256xf32, #tpu.memory_space<hbm>>) dst(%arg7 : memref<200x256xf32, #tpu.memory_space<vmem>>)
      %parallel_loop3A_48 = arith.constant 0 : i32
      %parallel_loop3A_49 = arith.constant 196 : i32
      %parallel_loop3A_50 = arith.constant 1 : i32
      scf.for %parallel_loop3A_54 = %parallel_loop3A_48 to %parallel_loop3A_49 step %parallel_loop3A_50  : i32 {
        %parallel_loop3A_55 = arith.constant 2 : i32
        %parallel_loop3A_56 = arith.addi %parallel_loop3A_54, %parallel_loop3A_55 : i32
        %parallel_loop3A_57 = arith.index_cast %parallel_loop3A_56 : i32 to index
        %parallel_loop3A_58 = arith.constant 160 : index
        %parallel_loop3A_59 = tpu.vector_load %arg7[%parallel_loop3A_57, %parallel_loop3A_58] {strides = array<i32>} : memref<200x256xf32, #tpu.memory_space<vmem>>, vector<1x16xf32>,
        %parallel_loop3A_60 = vector.shape_cast %parallel_loop3A_59 : vector<1x16xf32> to vector<16xf32>
        %parallel_loop3A_61 = arith.constant 2 : i32
        %parallel_loop3A_62 = arith.addi %parallel_loop3A_54, %parallel_loop3A_61 : i32
        %parallel_loop3A_63 = arith.index_cast %parallel_loop3A_62 : i32 to index
        %parallel_loop3A_64 = arith.constant 176 : index
        %parallel_loop3A_65 = tpu.vector_load %arg7[%parallel_loop3A_63, %parallel_loop3A_64] {strides = array<i32>} : memref<200x256xf32, #tpu.memory_space<vmem>>, vector<1x16xf32>,
        %parallel_loop3A_66 = vector.shape_cast %parallel_loop3A_65 : vector<1x16xf32> to vector<16xf32>
        %parallel_loop3A_67 = arith.index_cast %parallel_loop3A_54 : i32 to index
        %parallel_loop3A_68 = arith.constant 0 : index
        %parallel_loop3A_69 = tpu.vector_load %arg7[%parallel_loop3A_67, %parallel_loop3A_68] {strides = array<i32>} : memref<200x256xf32, #tpu.memory_space<vmem>>, vector<1x16xf32>,
        %parallel_loop3A_70 = vector.shape_cast %parallel_loop3A_69 : vector<1x16xf32> to vector<16xf32>
        %parallel_loop3A_71 = arith.mulf %parallel_loop3A_70, %parallel_loop3A_60 : vector<16xf32>
        %parallel_loop3A_72 = arith.index_cast %parallel_loop3A_54 : i32 to index
        %parallel_loop3A_73 = arith.constant 16 : index
        %parallel_loop3A_74 = tpu.vector_load %arg7[%parallel_loop3A_72, %parallel_loop3A_73] {strides = array<i32>} : memref<200x256xf32, #tpu.memory_space<vmem>>, vector<1x16xf32>,
        %parallel_loop3A_75 = vector.shape_cast %parallel_loop3A_74 : vector<1x16xf32> to vector<16xf32>
        %parallel_loop3A_76 = arith.mulf %parallel_loop3A_75, %parallel_loop3A_66 : vector<16xf32>
        %parallel_loop3A_77 = arith.constant 1 : i32
        %parallel_loop3A_78 = arith.addi %parallel_loop3A_54, %parallel_loop3A_77 : i32
        %parallel_loop3A_79 = arith.index_cast %parallel_loop3A_78 : i32 to index
        %parallel_loop3A_80 = arith.constant 32 : index
        %parallel_loop3A_81 = tpu.vector_load %arg7[%parallel_loop3A_79, %parallel_loop3A_80] {strides = array<i32>} : memref<200x256xf32, #tpu.memory_space<vmem>>, vector<1x16xf32>,
        %parallel_loop3A_82 = vector.shape_cast %parallel_loop3A_81 : vector<1x16xf32> to vector<16xf32>
        %parallel_loop3A_83 = arith.mulf %parallel_loop3A_82, %parallel_loop3A_60 : vector<16xf32>
        %parallel_loop3A_84 = arith.maximumf %parallel_loop3A_71, %parallel_loop3A_83 : vector<16xf32>
        %parallel_loop3A_85 = arith.constant 1 : i32
        %parallel_loop3A_86 = arith.addi %parallel_loop3A_54, %parallel_loop3A_85 : i32
        %parallel_loop3A_87 = arith.index_cast %parallel_loop3A_86 : i32 to index
        %parallel_loop3A_88 = arith.constant 48 : index
        %parallel_loop3A_89 = tpu.vector_load %arg7[%parallel_loop3A_87, %parallel_loop3A_88] {strides = array<i32>} : memref<200x256xf32, #tpu.memory_space<vmem>>, vector<1x16xf32>,
        %parallel_loop3A_90 = vector.shape_cast %parallel_loop3A_89 : vector<1x16xf32> to vector<16xf32>
        %parallel_loop3A_91 = arith.mulf %parallel_loop3A_90, %parallel_loop3A_66 : vector<16xf32>
        %parallel_loop3A_92 = arith.maximumf %parallel_loop3A_76, %parallel_loop3A_91 : vector<16xf32>
        %parallel_loop3A_93 = arith.constant 2 : i32
        %parallel_loop3A_94 = arith.addi %parallel_loop3A_54, %parallel_loop3A_93 : i32
        %parallel_loop3A_95 = arith.index_cast %parallel_loop3A_94 : i32 to index
        %parallel_loop3A_96 = arith.constant 64 : index
        %parallel_loop3A_97 = tpu.vector_load %arg7[%parallel_loop3A_95, %parallel_loop3A_96] {strides = array<i32>} : memref<200x256xf32, #tpu.memory_space<vmem>>, vector<1x16xf32>,
        %parallel_loop3A_98 = vector.shape_cast %parallel_loop3A_97 : vector<1x16xf32> to vector<16xf32>
        %parallel_loop3A_99 = arith.mulf %parallel_loop3A_98, %parallel_loop3A_60 : vector<16xf32>
        %parallel_loop3A_100 = arith.maximumf %parallel_loop3A_84, %parallel_loop3A_99 : vector<16xf32>
        %parallel_loop3A_101 = arith.constant 2 : i32
        %parallel_loop3A_102 = arith.addi %parallel_loop3A_54, %parallel_loop3A_101 : i32
        %parallel_loop3A_103 = arith.index_cast %parallel_loop3A_102 : i32 to index
        %parallel_loop3A_104 = arith.constant 80 : index
        %parallel_loop3A_105 = tpu.vector_load %arg7[%parallel_loop3A_103, %parallel_loop3A_104] {strides = array<i32>} : memref<200x256xf32, #tpu.memory_space<vmem>>, vector<1x16xf32>,
        %parallel_loop3A_106 = vector.shape_cast %parallel_loop3A_105 : vector<1x16xf32> to vector<16xf32>
        %parallel_loop3A_107 = arith.mulf %parallel_loop3A_106, %parallel_loop3A_66 : vector<16xf32>
        %parallel_loop3A_108 = arith.maximumf %parallel_loop3A_92, %parallel_loop3A_107 : vector<16xf32>
        %parallel_loop3A_109 = arith.constant 3 : i32
        %parallel_loop3A_110 = arith.addi %parallel_loop3A_54, %parallel_loop3A_109 : i32
        %parallel_loop3A_111 = arith.index_cast %parallel_loop3A_110 : i32 to index
        %parallel_loop3A_112 = arith.constant 96 : index
        %parallel_loop3A_113 = tpu.vector_load %arg7[%parallel_loop3A_111, %parallel_loop3A_112] {strides = array<i32>} : memref<200x256xf32, #tpu.memory_space<vmem>>, vector<1x16xf32>,
        %parallel_loop3A_114 = vector.shape_cast %parallel_loop3A_113 : vector<1x16xf32> to vector<16xf32>
        %parallel_loop3A_115 = arith.mulf %parallel_loop3A_114, %parallel_loop3A_60 : vector<16xf32>
        %parallel_loop3A_116 = arith.maximumf %parallel_loop3A_100, %parallel_loop3A_115 : vector<16xf32>
        %parallel_loop3A_117 = arith.constant 3 : i32
        %parallel_loop3A_118 = arith.addi %parallel_loop3A_54, %parallel_loop3A_117 : i32
        %parallel_loop3A_119 = arith.index_cast %parallel_loop3A_118 : i32 to index
        %parallel_loop3A_120 = arith.constant 112 : index
        %parallel_loop3A_121 = tpu.vector_load %arg7[%parallel_loop3A_119, %parallel_loop3A_120] {strides = array<i32>} : memref<200x256xf32, #tpu.memory_space<vmem>>, vector<1x16xf32>,
        %parallel_loop3A_122 = vector.shape_cast %parallel_loop3A_121 : vector<1x16xf32> to vector<16xf32>
        %parallel_loop3A_123 = arith.mulf %parallel_loop3A_122, %parallel_loop3A_66 : vector<16xf32>
        %parallel_loop3A_124 = arith.maximumf %parallel_loop3A_108, %parallel_loop3A_123 : vector<16xf32>
        %parallel_loop3A_125 = arith.constant 4 : i32
        %parallel_loop3A_126 = arith.addi %parallel_loop3A_54, %parallel_loop3A_125 : i32
        %parallel_loop3A_127 = arith.index_cast %parallel_loop3A_126 : i32 to index
        %parallel_loop3A_128 = arith.constant 128 : index
        %parallel_loop3A_129 = tpu.vector_load %arg7[%parallel_loop3A_127, %parallel_loop3A_128] {strides = array<i32>} : memref<200x256xf32, #tpu.memory_space<vmem>>, vector<1x16xf32>,
        %parallel_loop3A_130 = vector.shape_cast %parallel_loop3A_129 : vector<1x16xf32> to vector<16xf32>
        %parallel_loop3A_131 = arith.mulf %parallel_loop3A_130, %parallel_loop3A_60 : vector<16xf32>
        %parallel_loop3A_132 = arith.maximumf %parallel_loop3A_116, %parallel_loop3A_131 : vector<16xf32>
        %parallel_loop3A_133 = arith.constant 4 : i32
        %parallel_loop3A_134 = arith.addi %parallel_loop3A_54, %parallel_loop3A_133 : i32
        %parallel_loop3A_135 = arith.index_cast %parallel_loop3A_134 : i32 to index
        %parallel_loop3A_136 = arith.constant 144 : index
        %parallel_loop3A_137 = tpu.vector_load %arg7[%parallel_loop3A_135, %parallel_loop3A_136] {strides = array<i32>} : memref<200x256xf32, #tpu.memory_space<vmem>>, vector<1x16xf32>,
        %parallel_loop3A_138 = vector.shape_cast %parallel_loop3A_137 : vector<1x16xf32> to vector<16xf32>
        %parallel_loop3A_139 = arith.mulf %parallel_loop3A_138, %parallel_loop3A_66 : vector<16xf32>
        %parallel_loop3A_140 = arith.maximumf %parallel_loop3A_124, %parallel_loop3A_139 : vector<16xf32>
        %parallel_loop3A_141 = arith.constant 32 : i32
        %parallel_loop3A_142 = arith.muli %parallel_loop3A_54, %parallel_loop3A_141 : i32
        %parallel_loop3A_143 = arith.index_cast %parallel_loop3A_142 : i32 to index
        %parallel_loop3A_144 = tpu.vector_load %arg9[%parallel_loop3A_143] {strides = array<i32>} : memref<6272xf32, #tpu.memory_space<vmem>>, vector<16xf32>,
        %parallel_loop3A_145 = vector.shape_cast %parallel_loop3A_144 : vector<16xf32> to vector<16xf32>
        %parallel_loop3A_146 = vector.shape_cast %parallel_loop3A_132 : vector<16xf32> to vector<16xf32>
        tpu.vector_store %arg9[%parallel_loop3A_143], %parallel_loop3A_146 {strides = array<i32>} : memref<6272xf32, #tpu.memory_space<vmem>>, vector<16xf32>,
        %parallel_loop3A_147 = arith.constant 32 : i32
        %parallel_loop3A_148 = arith.muli %parallel_loop3A_54, %parallel_loop3A_147 : i32
        %parallel_loop3A_149 = arith.constant 16 : i32
        %parallel_loop3A_150 = arith.addi %parallel_loop3A_148, %parallel_loop3A_149 : i32
        %parallel_loop3A_151 = arith.index_cast %parallel_loop3A_150 : i32 to index
        %parallel_loop3A_152 = tpu.vector_load %arg9[%parallel_loop3A_151] {strides = array<i32>} : memref<6272xf32, #tpu.memory_space<vmem>>, vector<16xf32>,
        %parallel_loop3A_153 = vector.shape_cast %parallel_loop3A_152 : vector<16xf32> to vector<16xf32>
        %parallel_loop3A_154 = vector.shape_cast %parallel_loop3A_140 : vector<16xf32> to vector<16xf32>
        tpu.vector_store %arg9[%parallel_loop3A_151], %parallel_loop3A_154 {strides = array<i32>} : memref<6272xf32, #tpu.memory_space<vmem>>, vector<16xf32>,
      } {sc.loop_unroll_factor = 4 : i64, sc.parallel_access}
      %mul3A_51 = arith.constant 32 : i32
      %mul3A_52 = arith.muli %add3A, %mul3A_51 : i32
      %add3A_53 = arith.addi %mul3A_52, %add3A_34 : i32
      "tpu.region"() ({
        %run_scoped3A = tpu.sem_alloc : memref<!tpu.dma_semaphore, #tpu.memory_space<semaphore_mem>>
        %dma_start3A_54 = arith.constant 0 : i32
        %dma_start3A_55 = tpu.memref_slice %arg4[%add3A_53, %dma_start3A_54] : memref<1024x6272xf32, #tpu.memory_space<hbm>> -> memref<1x6272xf32, #tpu.memory_space<hbm>>
        %dma_start3A_56 = tpu.memref_squeeze %dma_start3A_55 : memref<1x6272xf32, #tpu.memory_space<hbm>> -> memref<6272xf32, #tpu.memory_space<hbm>>
        %dma_start3A_57 = arith.constant 0 : i32
        %dma_start3A_58 = tpu.memref_slice %arg4[%add3A_53, %dma_start3A_57] : memref<1024x6272xf32, #tpu.memory_space<hbm>> -> memref<1x6272xf32, #tpu.memory_space<hbm>>
        %dma_start3A_59 = tpu.memref_squeeze %dma_start3A_58 : memref<1x6272xf32, #tpu.memory_space<hbm>> -> memref<6272xf32, #tpu.memory_space<hbm>>
        tpu.enqueue_dma source(%arg9 : memref<6272xf32, #tpu.memory_space<vmem>>) target(%dma_start3A_59 : memref<6272xf32, #tpu.memory_space<hbm>>) target_semaphore(%run_scoped3A : memref<!tpu.dma_semaphore, #tpu.memory_space<semaphore_mem>>)
        %dma_wait3A_60 = arith.constant 0 : i32
        %dma_wait3A_61 = tpu.memref_slice %arg4[%add3A_53, %dma_wait3A_60] : memref<1024x6272xf32, #tpu.memory_space<hbm>> -> memref<1x6272xf32, #tpu.memory_space<hbm>>
        %dma_wait3A_62 = tpu.memref_squeeze %dma_wait3A_61 : memref<1x6272xf32, #tpu.memory_space<hbm>> -> memref<6272xf32, #tpu.memory_space<hbm>>
        %dma_wait3A_63 = arith.constant 0 : i32
        %dma_wait3A_64 = tpu.memref_slice %arg4[%add3A_53, %dma_wait3A_63] : memref<1024x6272xf32, #tpu.memory_space<hbm>> -> memref<1x6272xf32, #tpu.memory_space<hbm>>
        %dma_wait3A_65 = tpu.memref_squeeze %dma_wait3A_64 : memref<1x6272xf32, #tpu.memory_space<hbm>> -> memref<6272xf32, #tpu.memory_space<hbm>>
        tpu.wait_dma2 semaphore(%run_scoped3A : memref<!tpu.dma_semaphore, #tpu.memory_space<semaphore_mem>>) src(%arg9 : memref<6272xf32, #tpu.memory_space<vmem>>) dst(%dma_wait3A_65 : memref<6272xf32, #tpu.memory_space<hbm>>)
        tpu.yield
      }) : () -> ()
    }
    %scan3A_11 = arith.constant 16 : i32
    return
  }
}

module attributes {stable_mosaic.version = 14 : i64} {
  func.func @_prep_body(%arg0: i32, %arg1: memref<4000x32xf32, #tpu.memory_space<vmem>>, %arg2: memref<4000x32xf32, #tpu.memory_space<vmem>>, %arg3: memref<4000x32xf32, #tpu.memory_space<vmem>>, %arg4: memref<4000x32xf32, #tpu.memory_space<vmem>>, %arg5: memref<4000x32xf32, #tpu.memory_space<vmem>>, %arg6: memref<4000x32xf32, #tpu.memory_space<vmem>>, %arg7: memref<4000x256xf32, #tpu.memory_space<vmem>>) attributes {dimension_semantics = [#tpu.dimension_semantics<arbitrary>], iteration_bounds = array<i64: 25>, scalar_prefetch = 0 : i64, scratch_operands = 0 : i64, tpu.core_type = #tpu.core_type<tc>, window_params = [{transform_indices = @transform_0, window_bounds = array<i64: 4000, 32>}, {transform_indices = @transform_1, window_bounds = array<i64: 4000, 32>}, {transform_indices = @transform_2, window_bounds = array<i64: 4000, 32>}, {transform_indices = @transform_3, window_bounds = array<i64: 4000, 32>}, {transform_indices = @transform_4, window_bounds = array<i64: 4000, 32>}, {transform_indices = @transform_5, window_bounds = array<i64: 4000, 32>}, {transform_indices = @transform_6, window_bounds = array<i64: 4000, 256>}]} {
    %get3A = arith.constant 0 : index
    %get3A_0 = arith.constant 0 : index
    %get3A_1 = vector.load %arg1[%get3A, %get3A_0] : memref<4000x32xf32, #tpu.memory_space<vmem>>, vector<4000x32xf32>
    %swap3A = arith.constant 0 : index
    %swap3A_2 = arith.constant 0 : index
    %swap3A_3 = vector.load %arg7[%swap3A, %swap3A_2] : memref<4000x256xf32, #tpu.memory_space<vmem>>, vector<4000x32xf32>
    tpu.vector_store %arg7[%swap3A, %swap3A_2], %get3A_1 {strides = array<i32>} : memref<4000x256xf32, #tpu.memory_space<vmem>>, vector<4000x32xf32>,
    %get3A_4 = arith.constant 0 : index
    %get3A_5 = arith.constant 0 : index
    %get3A_6 = vector.load %arg2[%get3A_4, %get3A_5] : memref<4000x32xf32, #tpu.memory_space<vmem>>, vector<4000x32xf32>
    %swap3A_7 = arith.constant 0 : index
    %swap3A_8 = arith.constant 32 : index
    %swap3A_9 = vector.load %arg7[%swap3A_7, %swap3A_8] : memref<4000x256xf32, #tpu.memory_space<vmem>>, vector<4000x32xf32>
    tpu.vector_store %arg7[%swap3A_7, %swap3A_8], %get3A_6 {strides = array<i32>} : memref<4000x256xf32, #tpu.memory_space<vmem>>, vector<4000x32xf32>,
    %get3A_10 = arith.constant 0 : index
    %get3A_11 = arith.constant 0 : index
    %get3A_12 = vector.load %arg3[%get3A_10, %get3A_11] : memref<4000x32xf32, #tpu.memory_space<vmem>>, vector<4000x32xf32>
    %swap3A_13 = arith.constant 0 : index
    %swap3A_14 = arith.constant 64 : index
    %swap3A_15 = vector.load %arg7[%swap3A_13, %swap3A_14] : memref<4000x256xf32, #tpu.memory_space<vmem>>, vector<4000x32xf32>
    tpu.vector_store %arg7[%swap3A_13, %swap3A_14], %get3A_12 {strides = array<i32>} : memref<4000x256xf32, #tpu.memory_space<vmem>>, vector<4000x32xf32>,
    %get3A_16 = arith.constant 0 : index
    %get3A_17 = arith.constant 0 : index
    %get3A_18 = vector.load %arg4[%get3A_16, %get3A_17] : memref<4000x32xf32, #tpu.memory_space<vmem>>, vector<4000x32xf32>
    %swap3A_19 = arith.constant 0 : index
    %swap3A_20 = arith.constant 96 : index
    %swap3A_21 = vector.load %arg7[%swap3A_19, %swap3A_20] : memref<4000x256xf32, #tpu.memory_space<vmem>>, vector<4000x32xf32>
    tpu.vector_store %arg7[%swap3A_19, %swap3A_20], %get3A_18 {strides = array<i32>} : memref<4000x256xf32, #tpu.memory_space<vmem>>, vector<4000x32xf32>,
    %get3A_22 = arith.constant 0 : index
    %get3A_23 = arith.constant 0 : index
    %get3A_24 = vector.load %arg5[%get3A_22, %get3A_23] : memref<4000x32xf32, #tpu.memory_space<vmem>>, vector<4000x32xf32>
    %swap3A_25 = arith.constant 0 : index
    %swap3A_26 = arith.constant 128 : index
    %swap3A_27 = vector.load %arg7[%swap3A_25, %swap3A_26] : memref<4000x256xf32, #tpu.memory_space<vmem>>, vector<4000x32xf32>
    tpu.vector_store %arg7[%swap3A_25, %swap3A_26], %get3A_24 {strides = array<i32>} : memref<4000x256xf32, #tpu.memory_space<vmem>>, vector<4000x32xf32>,
    %get3A_28 = arith.constant 0 : index
    %get3A_29 = arith.constant 0 : index
    %get3A_30 = vector.load %arg6[%get3A_28, %get3A_29] : memref<4000x32xf32, #tpu.memory_space<vmem>>, vector<4000x32xf32>
    %swap3A_31 = arith.constant 0 : index
    %swap3A_32 = arith.constant 160 : index
    %swap3A_33 = vector.load %arg7[%swap3A_31, %swap3A_32] : memref<4000x256xf32, #tpu.memory_space<vmem>>, vector<4000x32xf32>
    tpu.vector_store %arg7[%swap3A_31, %swap3A_32], %get3A_30 {strides = array<i32>} : memref<4000x256xf32, #tpu.memory_space<vmem>>, vector<4000x32xf32>,
    return
  }
  func.func @transform_0(%arg0: i32) -> (i32, i32) {
    %add3A = arith.constant 0 : i32
    %add3A_0 = arith.addi %add3A, %arg0 : i32
    %c0_i32 = arith.constant 0 : i32
    %c0_i32_1 = arith.constant 0 : i32
    return %add3A_0, %c0_i32 : i32, i32
  }
  func.func @transform_1(%arg0: i32) -> (i32, i32) {
    %add3A = arith.constant 25 : i32
    %add3A_0 = arith.addi %add3A, %arg0 : i32
    %c0_i32 = arith.constant 0 : i32
    %c0_i32_1 = arith.constant 0 : i32
    return %add3A_0, %c0_i32 : i32, i32
  }
  func.func @transform_2(%arg0: i32) -> (i32, i32) {
    %add3A = arith.constant 50 : i32
    %add3A_0 = arith.addi %add3A, %arg0 : i32
    %c0_i32 = arith.constant 0 : i32
    %c0_i32_1 = arith.constant 0 : i32
    return %add3A_0, %c0_i32 : i32, i32
  }
  func.func @transform_3(%arg0: i32) -> (i32, i32) {
    %add3A = arith.constant 75 : i32
    %add3A_0 = arith.addi %add3A, %arg0 : i32
    %c0_i32 = arith.constant 0 : i32
    %c0_i32_1 = arith.constant 0 : i32
    return %add3A_0, %c0_i32 : i32, i32
  }
  func.func @transform_4(%arg0: i32) -> (i32, i32) {
    %add3A = arith.constant 100 : i32
    %add3A_0 = arith.addi %add3A, %arg0 : i32
    %c0_i32 = arith.constant 0 : i32
    %c0_i32_1 = arith.constant 0 : i32
    return %add3A_0, %c0_i32 : i32, i32
  }
  func.func @transform_5(%arg0: i32) -> (i32, i32) {
    %c0_i32 = arith.constant 0 : i32
    %c0_i32_0 = arith.constant 0 : i32
    return %arg0, %c0_i32 : i32, i32
  }
  func.func @transform_6(%arg0: i32) -> (i32, i32) {
    %c0_i32 = arith.constant 0 : i32
    %c0_i32_0 = arith.constant 0 : i32
    return %arg0, %c0_i32 : i32, i32
  }
}

</mosaic_0001>

<sc_bundles>
// kernel: _run.4.cloned.1.call-start
scs
__scs_entry_jumppad:
0x0: {  	(pc) =	sbr.rel $0x88, $3  }
0x1: {  	(tag) =	ssettag $0x0;
	lr =	simm.s32 $0x1  }
0x2: {  	[smem:$0x3F9E] =	sst lr;
	_ =	strace $0xD0000000  }
0x3: {  	_ = 	snop  }
0x4: {  	_ = 	snop  }
0x5: {  	_ = 	snop  }
0x6: {  	_ = 	snop  }
0x7: {  	_ = 	snop  }
__scs_overlays_trampoline_lowered:
0x8: {  	[smem:$0x3FAD] =	sst s0  }
0x9: {  	[smem:$0x3FAE] =	sst s1  }
0xa: {  	[smem:$0x3FAF] =	sst s2  }
0xb: {  	[smem:$0x3FB0] =	sst s3  }
0xc: {  	[smem:$0x3FB1] =	sst s4  }
0xd: {  	[smem:$0x3FB2] =	sst s5  }
0xe: {  	[smem:$0x3FB3] =	sst s6  }
0xf: {  	[smem:$0x3FB4] =	sst s7  }
0x10: {  	[smem:$0x3FB5] =	sst s8  }
0x11: {  	[smem:$0x3FB6] =	sst s9;
	s0 =	simm.s32 @!p0 $0x0  }
0x12: {  	s1 =	sld [smem:$0x3F9C];
	s0 =	simm.s32 @p0 $0x1  }
0x13: {  	[smem:$0x3FB7] =	sst s0;
	s0 =	simm.s32 @!p1 $0x0  }
0x14: {  	s2 =	sld [smem:$0x3F9B];
	s0 =	simm.s32 @p1 $0x1  }
0x15: {  	[smem:$0x3FB8] =	sst s0;
	s0 =	simm.s32 @!p2 $0x0  }
0x16: {  	s3 =	sld [smem:$0x3FDB];
	s0 =	simm.s32 @p2 $0x1  }
0x17: {  	s4 =	simm.s32 $0x1BF5;
	[smem:$0x3FBA] =	sst s0  }
0x18: {  	s0 =	sld [smem:$0x3F9D];
	_ =	swait.ge [sflag:s4], $0x0  }
0x19: {  	s7 =	sld [smem:$0x3F9E]  }
0x1a: {  	s8 =	sadd.s32 $0xFFFFE003, lr  }
0x1b: {  	s9 =	sadd.s32 $0xFFFFFEF7, lr;
	s5 =	simm.s32 $0xFFFFFFFF;
	p2 =	slt.u32 s8, $0xFFFFF086  }
0x1c: {  	p1 =	slt.u32 s9, $0xF7A;
	s5 =	simm.s32 @!p2 $0x0  }
0x1d: {  	s5 =	simm.s32 @p1 $0x1;
	p0 =	seq.s32 s7, s2  }
0x1e: {  	s7 =	smul.u32 @!p0 $0xF7A, s2;
	p2 =	seq.s32 @!p0 s5, $0x0  }
0x1f: {  	s9 =	smul.u32 $0xF7A, s1;
	s8 =	simm.s32 @!p0 $0x1BF5;
	p2 =	por !p2, p0  }
0x20: {  	[sflag:s8] =	ssyncset.s32 @!p0 $0xFFFFF086;
	s6 =	sadd.s32 @!p0 s3, s7;
	s7 =	simm.s32 @!p0 $0x108  }
0x21: {  	s3 =	sadd.s32 s3, s9;
	s6 =	sadd.s32 @!p0 $0x88, s6;
	s7 =	simm.s32 @p2 $0x1082  }
0x22: {  	[simem:s7], [sflag:s8] =	dma.local @!p0 [hbm:s6], $0xF7A  }
0x23: {  	s9 =	sor.u32 $0xD0000000, s2;
	s6 =	simm.s32 $0x108;
	_ =	swait.ge @!p0 [sflag:s8], $0x0  }
0x24: {  	s3 =	sadd.s32 $0x88, s3;
	s6 =	simm.s32 @!p1 $0x1082;
	[sflag:s4] =	ssyncset.s32 $0xFFFFF086  }
0x25: {  	[simem:s6], [sflag:s4] =	dma.local [hbm:s3], $0xF7A  }
0x26: {  	[smem:$0x3F9E] =	sst s1;
	(tag) =	ssettag s2;
	_ =	strace s9  }
0x27: {  	s1 =	sld [smem:$0x3FAE]  }
0x28: {  	s2 =	sld [smem:$0x3FAF]  }
0x29: {  	s4 =	sld [smem:$0x3FB1]  }
0x2a: {  	p0 =	seq.s32 s5, $0x0;
	s5 =	sld [smem:$0x3FB2]  }
0x2b: {  	s6 =	sld [smem:$0x3FB3]  }
0x2c: {  	s7 =	sld [smem:$0x3FB4]  }
0x2d: {  	s3 =	simm.s32 $0x108;
	s8 =	sld [smem:$0x3FB5]  }
0x2e: {  	s3 =	simm.s32 @!p0 $0x1082;
	s9 =	sld [smem:$0x3FB6]  }
0x2f: {  	lr =	sadd.s32 s0, s3;
	s0 =	sld [smem:$0x3FAD]  }
0x30: {  	s3 =	sld [smem:$0x3FB0]  }
0x31: {  	[smem:$0x3FB9] =	sst s10  }
0x32: {  	s10 =	sld [smem:$0x3FB7];
	_ =	sdelay $0x3  }
0x33: {  	p0 =	seq.s32 s10, $0x1;
	s10 =	sld [smem:$0x3FB9];
	_ =	sdelay $0x3  }
0x34: {  	[smem:$0x3FB9] =	sst s10  }
0x35: {  	s10 =	sld [smem:$0x3FB8];
	_ =	sdelay $0x3  }
0x36: {  	p1 =	seq.s32 s10, $0x1;
	s10 =	sld [smem:$0x3FB9];
	_ =	sdelay $0x3  }
0x37: {  	[smem:$0x3FB9] =	sst s10  }
0x38: {  	s10 =	sld [smem:$0x3FBA]  }
0x39: {  	_ = 	snop;
	(pc) =	sbr.ind lr, $3  }
0x3a: {  	_ = 	snop  }
0x3b: {  	_ = 	snop  }
0x3c: {  	p2 =	seq.s32 s10, $0x1;
	s10 =	sld [smem:$0x3FB9]  }
0x3d: {  	_ =	shalt  }
0x3e: {  	_ =	shalt  }
0x3f: {  	_ =	shalt  }
0x40: {  	_ =	shalt  }
0x41: {  	_ =	shalt  }
0x42: {  	_ =	shalt  }
0x43: {  	_ =	shalt  }
0x44: {  	_ =	shalt  }
0x45: {  	_ =	shalt  }
0x46: {  	_ =	shalt  }
0x47: {  	_ =	shalt  }
0x48: {  	_ =	shalt  }
0x49: {  	_ =	shalt  }
0x4a: {  	_ =	shalt  }
0x4b: {  	_ =	shalt  }
0x4c: {  	_ =	shalt  }
0x4d: {  	_ =	shalt  }
0x4e: {  	_ =	shalt  }
0x4f: {  	_ =	shalt  }
0x50: {  	_ =	shalt  }
0x51: {  	_ =	shalt  }
0x52: {  	_ =	shalt  }
0x53: {  	_ =	shalt  }
0x54: {  	_ =	shalt  }
0x55: {  	_ =	shalt  }
0x56: {  	_ =	shalt  }
0x57: {  	_ =	shalt  }
0x58: {  	_ =	shalt  }
0x59: {  	_ =	shalt  }
0x5a: {  	_ =	shalt  }
0x5b: {  	_ =	shalt  }
0x5c: {  	_ =	shalt  }
0x5d: {  	_ =	shalt  }
0x5e: {  	_ =	shalt  }
0x5f: {  	_ =	shalt  }
0x60: {  	_ =	shalt  }
0x61: {  	_ =	shalt  }
0x62: {  	_ =	shalt  }
0x63: {  	_ =	shalt  }
0x64: {  	_ =	shalt  }
0x65: {  	_ =	shalt  }
0x66: {  	_ =	shalt  }
0x67: {  	_ =	shalt  }
0x68: {  	_ =	shalt  }
0x69: {  	_ =	shalt  }
0x6a: {  	_ =	shalt  }
0x6b: {  	_ =	shalt  }
0x6c: {  	_ =	shalt  }
0x6d: {  	_ =	shalt  }
0x6e: {  	_ =	shalt  }
0x6f: {  	_ =	shalt  }
0x70: {  	_ =	shalt  }
0x71: {  	_ =	shalt  }
0x72: {  	_ =	shalt  }
0x73: {  	_ =	shalt  }
0x74: {  	_ =	shalt  }
0x75: {  	_ =	shalt  }
0x76: {  	_ =	shalt  }
0x77: {  	_ =	shalt  }
0x78: {  	_ =	shalt  }
0x79: {  	_ =	shalt  }
0x7a: {  	_ =	shalt  }
0x7b: {  	_ =	shalt  }
0x7c: {  	_ =	shalt  }
0x7d: {  	_ =	shalt  }
0x7e: {  	_ =	shalt  }
0x7f: {  	_ =	shalt  }
0x80: {  	_ =	shalt  }
0x81: {  	_ =	shalt  }
0x82: {  	_ =	shalt  }
0x83: {  	_ =	shalt  }
0x84: {  	_ =	shalt  }
0x85: {  	_ =	shalt  }
0x86: {  	_ =	shalt  }
0x87: {  	_ =	shalt  }
.Lfunc_end0:
.L_simem_size_0:
called_computation_lowered:
.L_overlay_start_0:
0x88: {  	s2 =	sld [smem:$0x3FD9]  }
0x89: {  	s3 =	sld [smem:$0x3FFE];
	_ =	sdelay $0x1  }
0x8a: {  	s1 =	srdreg.scid  }
0x8b: {  	s0 =	sand.u32 $0x1, s1  }
0x8c: {  	s17 =	sshll.u32 s0, $0xA;
	s2 =	sadd.s32 s3, s2  }
0x8d: {  	s2 =	sadd.s32 s2, s17  }
0x8e: {  	[smem:$0x3FC5] =	sst s2  }
0x8f: {  	_ = 	snop  }
0x90: {  	s2 =	sld [smem:$0x3FD0];
	(tm) =	ssettm $0x1  }
0x91: {  	s18 =	sld [smem:$0x3FFB];
	_ =	sdelay $0x3  }
0x92: {  	_ =	strace s18  }
0x93: {  	s3 =	sld [smem:$0x3FFC];
	_ =	sdelay $0x3  }
0x94: {  	_ =	strace s3  }
0x95: {  	s3 =	sld [smem:$0x3FFD];
	_ =	sdelay $0x3  }
0x96: {  	_ =	strace s3  }
0x97: {  	_ =	strace $0x8FFFFFFF  }
0x98: {  	s19 =	sld [smem:$0x3FDB];
	_ =	sdelay $0x1  }
0x99: {  	s4 =	simm.s32 $_scs_section_size  }
0x9a: {  	s5 =	simm.s32 $_size__tile_overlayer_lowered;
	s6 =	simm.s32 $_tile_overlayer_lowered  }
0x9b: {  	s22 =	simm.s32 $0x1BFF;
	s21 =	sshll.u32 s6, $0x1;
	s3 =	sadd.s32 s4, s19  }
0x9c: {  	s7 =	simm.s32 $0x0;
	s20 =	sshll.u32 s5, $0x1;
	s5 =	sadd.s32 s21, s3  }
0x9d: {  	[timem:s7], [sflag:s22] =	dma.local [hbm:s5], s20  }
0x9e: {  	_ =	swait.ge [sflag:s22], s20  }
0x9f: {  	s4 =	ssub.s32 $0x0, s20;
	[sflag:s22] =	ssyncset.done $0x0  }
0xa0: {  	[sflag:s22] =	ssyncadd.s32 s4;
	_ =	sdelay $0x1  }
0xa1: {  	s23 =	simm.s32 $0x1B8B  }
0xa2: {  	_ =	swait.ge [sflag:s23], $0x1  }
0xa3: {  	[sflag:s23] =	ssyncset.done $0x0  }
0xa4: {  	s25 =	simm.s32 $0x1B8E;
	s24 =	sld [smem:$0x3FFE];
	[sflag:s23] =	ssyncadd.s32 $0xFFFFFFFF  }
0xa5: {  	s26 =	simm.s32 $execute0_lowered;
	[smem:$0x3FD2] =	sst s25  }
0xa6: {  	s5 =	sshll.u32 s26, $0x1;
	_ =	strace $0x80000046;
	[dreg:$0x1] =	wrdreg $0xFFFFFFFF  }
0xa7: {  	s28 =	simm.s32 $_size_execute0_lowered;
	s3 =	sadd.s32 s3, s5;
	[dreg:$0x0] =	wrdreg $0x0  }
0xa8: {  	s5 =	sshll.u32 s28, $0x1;
	[dreg:$0x2] =	wrdreg s3  }
0xa9: {  	[dreg:$0x3] =	wrdreg s5  }
0xaa: {  	[dreg:$0x4] =	wrdreg $0xC0  }
0xab: {  	_ =	task [dreg:s7], $0x5FFFF  }
0xac: {  	[dreg:$0x1] =	wrdreg $0xFFFFFFFF  }
0xad: {  	[dreg:$0x0] =	wrdreg $0x60  }
0xae: {  	[dreg:$0x2] =	wrdreg s2  }
0xaf: {  	[dreg:$0x3] =	wrdreg s24  }
0xb0: {  	[dreg:$0x4] =	wrdreg $0x9  }
0xb1: {  	_ =	task.clear_ibuf [dreg:s7], $0x5FFFF;
	_ =	strace $0x90000046  }
0xb2: {  	s29 =	simm.s32 $0x9;
	_ =	strace $0x80000048  }
0xb3: {  	_ =	swait.ge [sflag:s29], $0x1  }
0xb4: {  	[sflag:s29] =	ssyncadd.s32 $0xFFFFFFFF  }
0xb5: {  	_ =	strace $0x90000048  }
0xb6: {  	_ =	sfence  }
0xb7: {  	s30 =	sld [smem:$0x0];
	_ =	sdelay $0x2  }
0xb8: {  	s31 =	sshll.u32 s1, $0xD;
	s1 =	sshrl.u32 s1, $0x2  }
0xb9: {  	s3 =	sand.u32 $0x4000, s31;
	s1 =	sadd.s32 s1, s30  }
0xba: {  	s0 =	sor.u32 s3, s0;
	s1 =	sshll.u32 s1, $0x11  }
0xbb: {  	s0 =	sor.u32 s1, s0  }
0xbc: {  	s0 =	sadd.s32 $0x8F2B, s0  }
0xbd: {  	[sflag:s0] =	ssyncadd.remote.s32 $0x1  }
0xbe: {  	_ =	sfence.sel $0xFFFF  }
0xbf: {  	[dreg:$0x0] =	wrdreg $0xFFFFFFFF;
	(pc) =	sbr.abs _section_cstart, $3  }
0xc0: {  	[dreg:$0x1] =	wrdreg $0xFFFFFFFF  }
0xc1: {  	_ =	task.clear_ibuf [dreg:s7], $0x2FFFF;
	_ =	strace $0x9FFFFFFF  }
0xc2: {  	(tm) =	ssettm $0x7FFFFFFF  }
0xc3: {  	_ =	shalt  }
tec
execute0_lowered:
.L_overlay_start_1:
0x0: {  	(tag) =	ssettag $0x1  }
0x1: {  	s0 =	rddreg [dreg:$0x0];
	s1 =	srdreg.scid  }
0x2: {  	s2 =	stileid.u32;
	s4 =	rddreg [dreg:$0x1];
	s8 =	simm.s32 $0x3  }
0x3: {  	s1 =	sand.u32 $0x1, s1;
	s3 =	sshll.u32 s2, $0x1;
	s2 =	simm.s32 $0x0  }
0x4: {  	s11 =	simm.s32 $0x2;
	s5 =	sor.u32 s1, s3;
	[smem:$0x7FF] =	sst s2  }
0x5: {  	s1 =	ssub.s32 $0x2, s1;
	s3 =	sadd.s32 $0x928400, s4;
	s6 =	smul.u32 $0x320, s5  }
0x6: {  	_ =	strace $0x80000047;
	s7 =	sshrl.u32 s1, $0x1;
	s30 =	sshll.u32 s5, $0x5  }
0x7: {  	v2 =	vlaneseq.u32;
	s1 =	ssub.s32 s1, s7;
	[dreg:$0x4] =	wrdreg s30;
	s0 =	sadd.s32 s0, s6  }
0x8: {  	vm0 =	vmmov $0xffff;
	v1 =	vshrl.u32 v2, $0x3;
	s4 =	sadd.s32 $0x800, s4;
	s31 =	smax.u32 s1, $0x1;
	[dreg:$0x3] =	wrdreg s0  }
0x9: {  	v0 =	vand.u32 $0x7, v2;
	v2 =	vor.u32 $0x8, v2;
	v1 =	vmul.u32 $0x8, v1;
	s5 =	simm.s32 $0x1;
	s1 =	simm.s32 $0x0;
	[dreg:$0x5] =	wrdreg s31  }
.LBB2_1:
0xa: {  	[dreg:$0x6] =	wrdreg s1  }
0xb: {  	s0 =	rddreg [dreg:$0x3]  }
0xc: {  	[tilespmem:s2], [sflag:$0x3] =	stream.linear.gather [hbm4b:s0+s2], $0x1900, $0x38;
	[tilespmem:$0x1DA00] =	vst v63  }
0xd: {  	_ =	swait.ge [sflag:s8], $0x1900  }
0xe: {  	[sflag:s8] =	ssyncset.done $0x0  }
0xf: {  	[sflag:s8] =	ssyncadd.s32 $0xFFFFE700  }
0x10: {  	v3 =	vld [tilespmem:$0x0];
	_ =	sdelay $0x4  }
0x11: {  	v4 =	vshll.u32 v3, $0x1  }
0x12: {  	v3 =	vand.u32 $0x7, v3;
	v4 =	vand.u32 $0xFFFFFFF0, v4  }
0x13: {  	v3 =	vor.u32 v3, v4  }
0x14: {  	v4 =	vperm.xlane v3, v0;
	_ =	sdelay $0x1  }
0x15: {  	v3 =	vperm.xlane v3, v2;
	v4 =	vadd.s32 v1, v4;
	_ =	sdelay $0x1  }
0x16: {  	v3 =	vadd.s32 v1, v3;
	_ =	sdelay $0x1  }
0x17: {  	s31 =	simm.s32 $0x1900  }
0x18: {  	[tilespmem:s31], [sflag:$0x1] =	stream.indirect_vreg.gather [hbm4b:s3+s2], $0x80, v4, vm0, $0xb8;
	[tilespmem:$0x1DA00] =	vst v63  }
0x19: {  	s1 =	simm.s32 $0x2100  }
0x1a: {  	[tilespmem:s1], [sflag:$0x1] =	stream.indirect_vreg.gather [hbm4b:s3+s2], $0x80, v3, vm0, $0xb8;
	[tilespmem:$0x1DA00] =	vst v63  }
0x1b: {  	v3 =	vld [tilespmem:$0x10];
	_ =	sdelay $0x4  }
0x1c: {  	v52 =	vshll.u32 v3, $0x1  }
0x1d: {  	v3 =	vand.u32 $0x7, v3;
	v4 =	vand.u32 $0xFFFFFFF0, v52  }
0x1e: {  	v3 =	vor.u32 v3, v4  }
0x1f: {  	v4 =	vperm.xlane v3, v0;
	_ =	sdelay $0x1  }
0x20: {  	v3 =	vperm.xlane v3, v2;
	v4 =	vadd.s32 v1, v4;
	_ =	sdelay $0x1  }
0x21: {  	v3 =	vadd.s32 v1, v3;
	_ =	sdelay $0x1  }
0x22: {  	s6 =	simm.s32 $0x2900  }
0x23: {  	[tilespmem:s6], [sflag:$0x1] =	stream.indirect_vreg.gather [hbm4b:s3+s2], $0x80, v4, vm0, $0xb8;
	[tilespmem:$0x1DA00] =	vst v63  }
0x24: {  	s7 =	simm.s32 $0x3100  }
0x25: {  	[tilespmem:s7], [sflag:$0x1] =	stream.indirect_vreg.gather [hbm4b:s3+s2], $0x80, v3, vm0, $0xb8;
	[tilespmem:$0x1DA00] =	vst v63  }
0x26: {  	v3 =	vld [tilespmem:$0x20];
	_ =	sdelay $0x4  }
0x27: {  	v53 =	vshll.u32 v3, $0x1  }
0x28: {  	v3 =	vand.u32 $0x7, v3;
	v4 =	vand.u32 $0xFFFFFFF0, v53  }
0x29: {  	v3 =	vor.u32 v3, v4  }
0x2a: {  	v4 =	vperm.xlane v3, v0;
	_ =	sdelay $0x1  }
0x2b: {  	v3 =	vperm.xlane v3, v2;
	v4 =	vadd.s32 v1, v4;
	_ =	sdelay $0x1  }
0x2c: {  	v3 =	vadd.s32 v1, v3;
	_ =	sdelay $0x1  }
0x2d: {  	s9 =	simm.s32 $0x3900  }
0x2e: {  	[tilespmem:s9], [sflag:$0x1] =	stream.indirect_vreg.gather [hbm4b:s3+s2], $0x80, v4, vm0, $0xb8;
	[tilespmem:$0x1DA00] =	vst v63  }
0x2f: {  	s10 =	simm.s32 $0x4100  }
0x30: {  	[tilespmem:s10], [sflag:$0x1] =	stream.indirect_vreg.gather [hbm4b:s3+s2], $0x80, v3, vm0, $0xb8;
	[tilespmem:$0x1DA00] =	vst v63  }
0x31: {  	v3 =	vld [tilespmem:$0x30];
	_ =	sdelay $0x4  }
0x32: {  	v54 =	vshll.u32 v3, $0x1  }
0x33: {  	v3 =	vand.u32 $0x7, v3;
	v4 =	vand.u32 $0xFFFFFFF0, v54  }
0x34: {  	v3 =	vor.u32 v3, v4  }
0x35: {  	v4 =	vperm.xlane v3, v0;
	_ =	sdelay $0x1  }
0x36: {  	v3 =	vperm.xlane v3, v2;
	v4 =	vadd.s32 v1, v4;
	_ =	sdelay $0x1  }
0x37: {  	v3 =	vadd.s32 v1, v3;
	_ =	sdelay $0x1  }
0x38: {  	s12 =	simm.s32 $0x4900  }
0x39: {  	[tilespmem:s12], [sflag:$0x1] =	stream.indirect_vreg.gather [hbm4b:s3+s2], $0x80, v4, vm0, $0xb8;
	[tilespmem:$0x1DA00] =	vst v63  }
0x3a: {  	s13 =	simm.s32 $0x5100  }
0x3b: {  	[tilespmem:s13], [sflag:$0x1] =	stream.indirect_vreg.gather [hbm4b:s3+s2], $0x80, v3, vm0, $0xb8;
	[tilespmem:$0x1DA00] =	vst v63  }
0x3c: {  	v3 =	vld [tilespmem:$0x40];
	_ =	sdelay $0x4  }
0x3d: {  	v55 =	vshll.u32 v3, $0x1  }
0x3e: {  	v3 =	vand.u32 $0x7, v3;
	v4 =	vand.u32 $0xFFFFFFF0, v55  }
0x3f: {  	v3 =	vor.u32 v3, v4  }
0x40: {  	v4 =	vperm.xlane v3, v0;
	_ =	sdelay $0x1  }
0x41: {  	v3 =	vperm.xlane v3, v2;
	v4 =	vadd.s32 v1, v4;
	_ =	sdelay $0x1  }
0x42: {  	v3 =	vadd.s32 v1, v3;
	_ =	sdelay $0x1  }
0x43: {  	s14 =	simm.s32 $0x5900  }
0x44: {  	[tilespmem:s14], [sflag:$0x1] =	stream.indirect_vreg.gather [hbm4b:s3+s2], $0x80, v4, vm0, $0xb8;
	[tilespmem:$0x1DA00] =	vst v63  }
0x45: {  	s15 =	simm.s32 $0x6100  }
0x46: {  	[tilespmem:s15], [sflag:$0x1] =	stream.indirect_vreg.gather [hbm4b:s3+s2], $0x80, v3, vm0, $0xb8;
	[tilespmem:$0x1DA00] =	vst v63  }
0x47: {  	v3 =	vld [tilespmem:$0x50];
	_ =	sdelay $0x4  }
0x48: {  	v56 =	vshll.u32 v3, $0x1  }
0x49: {  	v3 =	vand.u32 $0x7, v3;
	v4 =	vand.u32 $0xFFFFFFF0, v56  }
0x4a: {  	v3 =	vor.u32 v3, v4  }
0x4b: {  	v4 =	vperm.xlane v3, v0;
	_ =	sdelay $0x1  }
0x4c: {  	v3 =	vperm.xlane v3, v2;
	v4 =	vadd.s32 v1, v4;
	_ =	sdelay $0x1  }
0x4d: {  	v3 =	vadd.s32 v1, v3;
	_ =	sdelay $0x1  }
0x4e: {  	s16 =	simm.s32 $0x6900  }
0x4f: {  	[tilespmem:s16], [sflag:$0x1] =	stream.indirect_vreg.gather [hbm4b:s3+s2], $0x80, v4, vm0, $0xb8;
	[tilespmem:$0x1DA00] =	vst v63  }
0x50: {  	s17 =	simm.s32 $0x7100  }
0x51: {  	[tilespmem:s17], [sflag:$0x1] =	stream.indirect_vreg.gather [hbm4b:s3+s2], $0x80, v3, vm0, $0xb8;
	[tilespmem:$0x1DA00] =	vst v63  }
0x52: {  	v3 =	vld [tilespmem:$0x60];
	_ =	sdelay $0x4  }
0x53: {  	v57 =	vshll.u32 v3, $0x1  }
0x54: {  	v3 =	vand.u32 $0x7, v3;
	v4 =	vand.u32 $0xFFFFFFF0, v57  }
0x55: {  	v3 =	vor.u32 v3, v4  }
0x56: {  	v4 =	vperm.xlane v3, v0;
	_ =	sdelay $0x1  }
0x57: {  	v3 =	vperm.xlane v3, v2;
	v4 =	vadd.s32 v1, v4;
	_ =	sdelay $0x1  }
0x58: {  	v3 =	vadd.s32 v1, v3;
	_ =	sdelay $0x1  }
0x59: {  	s18 =	simm.s32 $0x7900  }
0x5a: {  	[tilespmem:s18], [sflag:$0x1] =	stream.indirect_vreg.gather [hbm4b:s3+s2], $0x80, v4, vm0, $0xb8;
	[tilespmem:$0x1DA00] =	vst v63  }
0x5b: {  	s19 =	simm.s32 $0x8100  }
0x5c: {  	[tilespmem:s19], [sflag:$0x1] =	stream.indirect_vreg.gather [hbm4b:s3+s2], $0x80, v3, vm0, $0xb8;
	[tilespmem:$0x1DA00] =	vst v63  }
0x5d: {  	v3 =	vld [tilespmem:$0x70];
	_ =	sdelay $0x4  }
0x5e: {  	v58 =	vshll.u32 v3, $0x1  }
0x5f: {  	v3 =	vand.u32 $0x7, v3;
	v4 =	vand.u32 $0xFFFFFFF0, v58  }
0x60: {  	v3 =	vor.u32 v3, v4  }
0x61: {  	v4 =	vperm.xlane v3, v0;
	_ =	sdelay $0x1  }
0x62: {  	v3 =	vperm.xlane v3, v2;
	v4 =	vadd.s32 v1, v4;
	_ =	sdelay $0x1  }
0x63: {  	v3 =	vadd.s32 v1, v3;
	_ =	sdelay $0x1  }
0x64: {  	s20 =	simm.s32 $0x8900  }
0x65: {  	[tilespmem:s20], [sflag:$0x1] =	stream.indirect_vreg.gather [hbm4b:s3+s2], $0x80, v4, vm0, $0xb8;
	[tilespmem:$0x1DA00] =	vst v63  }
0x66: {  	s21 =	simm.s32 $0x9100  }
0x67: {  	[tilespmem:s21], [sflag:$0x1] =	stream.indirect_vreg.gather [hbm4b:s3+s2], $0x80, v3, vm0, $0xb8;
	[tilespmem:$0x1DA00] =	vst v63  }
0x68: {  	v3 =	vld [tilespmem:$0x80];
	_ =	sdelay $0x4  }
0x69: {  	v59 =	vshll.u32 v3, $0x1  }
0x6a: {  	v3 =	vand.u32 $0x7, v3;
	v4 =	vand.u32 $0xFFFFFFF0, v59  }
0x6b: {  	v3 =	vor.u32 v3, v4  }
0x6c: {  	v4 =	vperm.xlane v3, v0;
	_ =	sdelay $0x1  }
0x6d: {  	v3 =	vperm.xlane v3, v2;
	v4 =	vadd.s32 v1, v4;
	_ =	sdelay $0x1  }
0x6e: {  	v3 =	vadd.s32 v1, v3;
	_ =	sdelay $0x1  }
0x6f: {  	s22 =	simm.s32 $0x9900  }
0x70: {  	[tilespmem:s22], [sflag:$0x1] =	stream.indirect_vreg.gather [hbm4b:s3+s2], $0x80, v4, vm0, $0xb8;
	[tilespmem:$0x1DA00] =	vst v63  }
0x71: {  	s23 =	simm.s32 $0xA100  }
0x72: {  	[tilespmem:s23], [sflag:$0x1] =	stream.indirect_vreg.gather [hbm4b:s3+s2], $0x80, v3, vm0, $0xb8;
	[tilespmem:$0x1DA00] =	vst v63  }
0x73: {  	v3 =	vld [tilespmem:$0x90];
	_ =	sdelay $0x4  }
0x74: {  	v60 =	vshll.u32 v3, $0x1  }
0x75: {  	v3 =	vand.u32 $0x7, v3;
	v4 =	vand.u32 $0xFFFFFFF0, v60  }
0x76: {  	v3 =	vor.u32 v3, v4  }
0x77: {  	v4 =	vperm.xlane v3, v0;
	_ =	sdelay $0x1  }
0x78: {  	v3 =	vperm.xlane v3, v2;
	v4 =	vadd.s32 v1, v4;
	_ =	sdelay $0x1  }
0x79: {  	v3 =	vadd.s32 v1, v3;
	_ =	sdelay $0x1  }
0x7a: {  	s24 =	simm.s32 $0xA900  }
0x7b: {  	[tilespmem:s24], [sflag:$0x1] =	stream.indirect_vreg.gather [hbm4b:s3+s2], $0x80, v4, vm0, $0xb8;
	[tilespmem:$0x1DA00] =	vst v63  }
0x7c: {  	s25 =	simm.s32 $0xB100  }
0x7d: {  	[tilespmem:s25], [sflag:$0x1] =	stream.indirect_vreg.gather [hbm4b:s3+s2], $0x80, v3, vm0, $0xb8;
	[tilespmem:$0x1DA00] =	vst v63  }
0x7e: {  	v3 =	vld [tilespmem:$0xA0];
	_ =	sdelay $0x4  }
0x7f: {  	v61 =	vshll.u32 v3, $0x1  }
0x80: {  	v3 =	vand.u32 $0x7, v3;
	v4 =	vand.u32 $0xFFFFFFF0, v61  }
0x81: {  	v3 =	vor.u32 v3, v4  }
0x82: {  	v4 =	vperm.xlane v3, v0;
	_ =	sdelay $0x1  }
0x83: {  	v3 =	vperm.xlane v3, v2;
	v4 =	vadd.s32 v1, v4;
	_ =	sdelay $0x1  }
0x84: {  	v3 =	vadd.s32 v1, v3;
	_ =	sdelay $0x1  }
0x85: {  	s26 =	simm.s32 $0xB900  }
0x86: {  	[tilespmem:s26], [sflag:$0x1] =	stream.indirect_vreg.gather [hbm4b:s3+s2], $0x80, v4, vm0, $0xb8;
	[tilespmem:$0x1DA00] =	vst v63  }
0x87: {  	s28 =	simm.s32 $0xC100  }
0x88: {  	[tilespmem:s28], [sflag:$0x1] =	stream.indirect_vreg.gather [hbm4b:s3+s2], $0x80, v3, vm0, $0xb8;
	[tilespmem:$0x1DA00] =	vst v63  }
0x89: {  	v3 =	vld [tilespmem:$0xB0];
	_ =	sdelay $0x4  }
0x8a: {  	v62 =	vshll.u32 v3, $0x1  }
0x8b: {  	v3 =	vand.u32 $0x7, v3;
	v4 =	vand.u32 $0xFFFFFFF0, v62  }
0x8c: {  	v3 =	vor.u32 v3, v4  }
0x8d: {  	v4 =	vperm.xlane v3, v0;
	_ =	sdelay $0x1  }
0x8e: {  	v3 =	vperm.xlane v3, v2;
	v4 =	vadd.s32 v1, v4;
	_ =	sdelay $0x1  }
0x8f: {  	v3 =	vadd.s32 v1, v3;
	_ =	sdelay $0x1  }
0x90: {  	s29 =	simm.s32 $0xC900  }
0x91: {  	[tilespmem:s29], [sflag:$0x1] =	stream.indirect_vreg.gather [hbm4b:s3+s2], $0x80, v4, vm0, $0xb8;
	[tilespmem:$0x1DA00] =	vst v63  }
0x92: {  	s30 =	simm.s32 $0xD100  }
0x93: {  	[tilespmem:s30], [sflag:$0x1] =	stream.indirect_vreg.gather [hbm4b:s3+s2], $0x80, v3, vm0, $0xb8;
	[tilespmem:$0x1DA00] =	vst v63  }
0x94: {  	v3 =	vld.msk [tilespmem:$0xC0], $0xff;
	_ =	sdelay $0x4  }
0x95: {  	v63 =	vshll.u32 v3, $0x1  }
0x96: {  	v3 =	vand.u32 $0x7, v3;
	v4 =	vand.u32 $0xFFFFFFF0, v63  }
0x97: {  	v3 =	vor.u32 v3, v4  }
0x98: {  	v3 =	vperm.xlane v3, v0;
	_ =	sdelay $0x1  }
0x99: {  	v3 =	vadd.s32 v1, v3;
	_ =	sdelay $0x3  }
0x9a: {  	s31 =	simm.s32 $0xD900;
	s13 =	simm.s32 $0x0  }
0x9b: {  	[tilespmem:s31], [sflag:$0x1] =	stream.indirect_vreg.gather [hbm4b:s3+s2], $0x80, v3, vm0, $0xb8;
	[tilespmem:$0x1DA00] =	vst v63  }
.LBB2_2:
0x9c: {  	s14 =	sshllo.u32 s13, $0x1  }
0x9d: {  	s0 =	smul.u32 $0x320, s14;
	_ =	sdelay $0x1  }
0x9e: {  	s15 =	sshra.s32 s0, $0x2  }
0x9f: {  	v3 =	vld [tilespmem:s15+$0x0];
	_ =	sdelay $0x4  }
0xa0: {  	v4 =	vshll.u32 v3, $0x1  }
0xa1: {  	v3 =	vand.u32 $0x7, v3;
	v4 =	vand.u32 $0xFFFFFFF0, v4  }
0xa2: {  	v3 =	vor.u32 v3, v4  }
0xa3: {  	v4 =	vperm.xlane v3, v0;
	_ =	sdelay $0x1  }
0xa4: {  	v3 =	vperm.xlane v3, v2;
	v4 =	vadd.s32 v1, v4;
	_ =	sdelay $0x1  }
0xa5: {  	v3 =	vadd.s32 v1, v3;
	_ =	sdelay $0x1  }
0xa6: {  	s17 =	simm.s32 $0x0;
	s20 =	simm.s32 $0xE100  }
0xa7: {  	[tilespmem:s20], [sflag:$0x2] =	stream.indirect_vreg.gather [hbm4b:s3+s17], $0x80, v4, vm0, $0xb8;
	[tilespmem:$0x1DA00] =	vst v63  }
0xa8: {  	s21 =	simm.s32 $0xE900  }
0xa9: {  	[tilespmem:s21], [sflag:$0x2] =	stream.indirect_vreg.gather [hbm4b:s3+s17], $0x80, v3, vm0, $0xb8;
	[tilespmem:$0x1DA00] =	vst v63  }
0xaa: {  	v3 =	vld [tilespmem:s15+$0x10];
	_ =	sdelay $0x4  }
0xab: {  	v4 =	vshll.u32 v3, $0x1  }
0xac: {  	v3 =	vand.u32 $0x7, v3;
	v4 =	vand.u32 $0xFFFFFFF0, v4  }
0xad: {  	v3 =	vor.u32 v3, v4  }
0xae: {  	v4 =	vperm.xlane v3, v0;
	_ =	sdelay $0x1  }
0xaf: {  	v3 =	vperm.xlane v3, v2;
	v4 =	vadd.s32 v1, v4;
	_ =	sdelay $0x1  }
0xb0: {  	v3 =	vadd.s32 v1, v3;
	_ =	sdelay $0x1  }
0xb1: {  	s22 =	simm.s32 $0xF100  }
0xb2: {  	[tilespmem:s22], [sflag:$0x2] =	stream.indirect_vreg.gather [hbm4b:s3+s17], $0x80, v4, vm0, $0xb8;
	[tilespmem:$0x1DA00] =	vst v63  }
0xb3: {  	s23 =	simm.s32 $0xF900  }
0xb4: {  	[tilespmem:s23], [sflag:$0x2] =	stream.indirect_vreg.gather [hbm4b:s3+s17], $0x80, v3, vm0, $0xb8;
	[tilespmem:$0x1DA00] =	vst v63  }
0xb5: {  	v3 =	vld [tilespmem:s15+$0x20];
	_ =	sdelay $0x4  }
0xb6: {  	v4 =	vshll.u32 v3, $0x1  }
0xb7: {  	v3 =	vand.u32 $0x7, v3;
	v4 =	vand.u32 $0xFFFFFFF0, v4  }
0xb8: {  	v3 =	vor.u32 v3, v4  }
0xb9: {  	v4 =	vperm.xlane v3, v0;
	_ =	sdelay $0x1  }
0xba: {  	v3 =	vperm.xlane v3, v2;
	v4 =	vadd.s32 v1, v4;
	_ =	sdelay $0x1  }
0xbb: {  	v3 =	vadd.s32 v1, v3;
	_ =	sdelay $0x1  }
0xbc: {  	s24 =	simm.s32 $0x10100  }
0xbd: {  	[tilespmem:s24], [sflag:$0x2] =	stream.indirect_vreg.gather [hbm4b:s3+s17], $0x80, v4, vm0, $0xb8;
	[tilespmem:$0x1DA00] =	vst v63  }
0xbe: {  	s25 =	simm.s32 $0x10900  }
0xbf: {  	[tilespmem:s25], [sflag:$0x2] =	stream.indirect_vreg.gather [hbm4b:s3+s17], $0x80, v3, vm0, $0xb8;
	[tilespmem:$0x1DA00] =	vst v63  }
0xc0: {  	v3 =	vld [tilespmem:s15+$0x30];
	_ =	sdelay $0x4  }
0xc1: {  	v4 =	vshll.u32 v3, $0x1  }
0xc2: {  	v3 =	vand.u32 $0x7, v3;
	v4 =	vand.u32 $0xFFFFFFF0, v4  }
0xc3: {  	v3 =	vor.u32 v3, v4  }
0xc4: {  	v4 =	vperm.xlane v3, v0;
	_ =	sdelay $0x1  }
0xc5: {  	v3 =	vperm.xlane v3, v2;
	v4 =	vadd.s32 v1, v4;
	_ =	sdelay $0x1  }
0xc6: {  	v3 =	vadd.s32 v1, v3;
	_ =	sdelay $0x1  }
0xc7: {  	s26 =	simm.s32 $0x11100  }
0xc8: {  	[tilespmem:s26], [sflag:$0x2] =	stream.indirect_vreg.gather [hbm4b:s3+s17], $0x80, v4, vm0, $0xb8;
	[tilespmem:$0x1DA00] =	vst v63  }
0xc9: {  	s28 =	simm.s32 $0x11900  }
0xca: {  	[tilespmem:s28], [sflag:$0x2] =	stream.indirect_vreg.gather [hbm4b:s3+s17], $0x80, v3, vm0, $0xb8;
	[tilespmem:$0x1DA00] =	vst v63  }
0xcb: {  	v3 =	vld [tilespmem:s15+$0x40];
	_ =	sdelay $0x4  }
0xcc: {  	v4 =	vshll.u32 v3, $0x1  }
0xcd: {  	v3 =	vand.u32 $0x7, v3;
	v4 =	vand.u32 $0xFFFFFFF0, v4  }
0xce: {  	v3 =	vor.u32 v3, v4  }
0xcf: {  	v4 =	vperm.xlane v3, v0;
	_ =	sdelay $0x1  }
0xd0: {  	v3 =	vperm.xlane v3, v2;
	v4 =	vadd.s32 v1, v4;
	_ =	sdelay $0x1  }
0xd1: {  	v3 =	vadd.s32 v1, v3;
	_ =	sdelay $0x1  }
0xd2: {  	s31 =	simm.s32 $0x12100  }
0xd3: {  	[tilespmem:s31], [sflag:$0x2] =	stream.indirect_vreg.gather [hbm4b:s3+s17], $0x80, v4, vm0, $0xb8;
	[tilespmem:$0x1DA00] =	vst v63  }
0xd4: {  	s1 =	simm.s32 $0x12900  }
0xd5: {  	[tilespmem:s1], [sflag:$0x2] =	stream.indirect_vreg.gather [hbm4b:s3+s17], $0x80, v3, vm0, $0xb8;
	[tilespmem:$0x1DA00] =	vst v63  }
0xd6: {  	v3 =	vld [tilespmem:s15+$0x50];
	_ =	sdelay $0x4  }
0xd7: {  	v4 =	vshll.u32 v3, $0x1  }
0xd8: {  	v3 =	vand.u32 $0x7, v3;
	v4 =	vand.u32 $0xFFFFFFF0, v4  }
0xd9: {  	v3 =	vor.u32 v3, v4  }
0xda: {  	v4 =	vperm.xlane v3, v0;
	_ =	sdelay $0x1  }
0xdb: {  	v3 =	vperm.xlane v3, v2;
	v4 =	vadd.s32 v1, v4;
	_ =	sdelay $0x1  }
0xdc: {  	v3 =	vadd.s32 v1, v3;
	_ =	sdelay $0x1  }
0xdd: {  	s6 =	simm.s32 $0x13100  }
0xde: {  	[tilespmem:s6], [sflag:$0x2] =	stream.indirect_vreg.gather [hbm4b:s3+s17], $0x80, v4, vm0, $0xb8;
	[tilespmem:$0x1DA00] =	vst v63  }
0xdf: {  	s7 =	simm.s32 $0x13900  }
0xe0: {  	[tilespmem:s7], [sflag:$0x2] =	stream.indirect_vreg.gather [hbm4b:s3+s17], $0x80, v3, vm0, $0xb8;
	[tilespmem:$0x1DA00] =	vst v63  }
0xe1: {  	v3 =	vld [tilespmem:s15+$0x60];
	_ =	sdelay $0x4  }
0xe2: {  	v4 =	vshll.u32 v3, $0x1  }
0xe3: {  	v3 =	vand.u32 $0x7, v3;
	v4 =	vand.u32 $0xFFFFFFF0, v4  }
0xe4: {  	v3 =	vor.u32 v3, v4  }
0xe5: {  	v4 =	vperm.xlane v3, v0;
	_ =	sdelay $0x1  }
0xe6: {  	v3 =	vperm.xlane v3, v2;
	v4 =	vadd.s32 v1, v4;
	_ =	sdelay $0x1  }
0xe7: {  	v3 =	vadd.s32 v1, v3;
	_ =	sdelay $0x1  }
0xe8: {  	s9 =	simm.s32 $0x14100  }
0xe9: {  	[tilespmem:s9], [sflag:$0x2] =	stream.indirect_vreg.gather [hbm4b:s3+s17], $0x80, v4, vm0, $0xb8;
	[tilespmem:$0x1DA00] =	vst v63  }
0xea: {  	s10 =	simm.s32 $0x14900  }
0xeb: {  	[tilespmem:s10], [sflag:$0x2] =	stream.indirect_vreg.gather [hbm4b:s3+s17], $0x80, v3, vm0, $0xb8;
	[tilespmem:$0x1DA00] =	vst v63  }
0xec: {  	v3 =	vld [tilespmem:s15+$0x70];
	_ =	sdelay $0x4  }
0xed: {  	v4 =	vshll.u32 v3, $0x1  }
0xee: {  	v3 =	vand.u32 $0x7, v3;
	v4 =	vand.u32 $0xFFFFFFF0, v4  }
0xef: {  	v3 =	vor.u32 v3, v4  }
0xf0: {  	v4 =	vperm.xlane v3, v0;
	_ =	sdelay $0x1  }
0xf1: {  	v3 =	vperm.xlane v3, v2;
	v4 =	vadd.s32 v1, v4;
	_ =	sdelay $0x1  }
0xf2: {  	v3 =	vadd.s32 v1, v3;
	_ =	sdelay $0x1  }
0xf3: {  	s12 =	simm.s32 $0x15100  }
0xf4: {  	[tilespmem:s12], [sflag:$0x2] =	stream.indirect_vreg.gather [hbm4b:s3+s17], $0x80, v4, vm0, $0xb8;
	[tilespmem:$0x1DA00] =	vst v63  }
0xf5: {  	s16 =	simm.s32 $0x15900  }
0xf6: {  	[tilespmem:s16], [sflag:$0x2] =	stream.indirect_vreg.gather [hbm4b:s3+s17], $0x80, v3, vm0, $0xb8;
	[tilespmem:$0x1DA00] =	vst v63  }
0xf7: {  	v3 =	vld [tilespmem:s15+$0x80];
	_ =	sdelay $0x4  }
0xf8: {  	v4 =	vshll.u32 v3, $0x1  }
0xf9: {  	v3 =	vand.u32 $0x7, v3;
	v4 =	vand.u32 $0xFFFFFFF0, v4  }
0xfa: {  	v3 =	vor.u32 v3, v4  }
0xfb: {  	v4 =	vperm.xlane v3, v0;
	_ =	sdelay $0x1  }
0xfc: {  	v3 =	vperm.xlane v3, v2;
	v4 =	vadd.s32 v1, v4;
	_ =	sdelay $0x1  }
0xfd: {  	v3 =	vadd.s32 v1, v3;
	_ =	sdelay $0x1  }
0xfe: {  	s18 =	simm.s32 $0x16100  }
0xff: {  	[tilespmem:s18], [sflag:$0x2] =	stream.indirect_vreg.gather [hbm4b:s3+s17], $0x80, v4, vm0, $0xb8;
	[tilespmem:$0x1DA00] =	vst v63  }
0x100: {  	s19 =	simm.s32 $0x16900  }
0x101: {  	[tilespmem:s19], [sflag:$0x2] =	stream.indirect_vreg.gather [hbm4b:s3+s17], $0x80, v3, vm0, $0xb8;
	[tilespmem:$0x1DA00] =	vst v63  }
0x102: {  	v3 =	vld [tilespmem:s15+$0x90];
	_ =	sdelay $0x4  }
0x103: {  	v4 =	vshll.u32 v3, $0x1  }
0x104: {  	v3 =	vand.u32 $0x7, v3;
	v4 =	vand.u32 $0xFFFFFFF0, v4  }
0x105: {  	v3 =	vor.u32 v3, v4  }
0x106: {  	v4 =	vperm.xlane v3, v0;
	_ =	sdelay $0x1  }
0x107: {  	v3 =	vperm.xlane v3, v2;
	v4 =	vadd.s32 v1, v4;
	_ =	sdelay $0x1  }
0x108: {  	v3 =	vadd.s32 v1, v3;
	_ =	sdelay $0x1  }
0x109: {  	s20 =	simm.s32 $0x17100  }
0x10a: {  	[tilespmem:s20], [sflag:$0x2] =	stream.indirect_vreg.gather [hbm4b:s3+s17], $0x80, v4, vm0, $0xb8;
	[tilespmem:$0x1DA00] =	vst v63  }
0x10b: {  	s21 =	simm.s32 $0x17900  }
0x10c: {  	[tilespmem:s21], [sflag:$0x2] =	stream.indirect_vreg.gather [hbm4b:s3+s17], $0x80, v3, vm0, $0xb8;
	[tilespmem:$0x1DA00] =	vst v63  }
0x10d: {  	v3 =	vld [tilespmem:s15+$0xA0];
	_ =	sdelay $0x4  }
0x10e: {  	v4 =	vshll.u32 v3, $0x1  }
0x10f: {  	v3 =	vand.u32 $0x7, v3;
	v4 =	vand.u32 $0xFFFFFFF0, v4  }
0x110: {  	v3 =	vor.u32 v3, v4  }
0x111: {  	v4 =	vperm.xlane v3, v0;
	_ =	sdelay $0x1  }
0x112: {  	v3 =	vperm.xlane v3, v2;
	v4 =	vadd.s32 v1, v4;
	_ =	sdelay $0x1  }
0x113: {  	v3 =	vadd.s32 v1, v3;
	_ =	sdelay $0x1  }
0x114: {  	s22 =	simm.s32 $0x18100  }
0x115: {  	[tilespmem:s22], [sflag:$0x2] =	stream.indirect_vreg.gather [hbm4b:s3+s17], $0x80, v4, vm0, $0xb8;
	[tilespmem:$0x1DA00] =	vst v63  }
0x116: {  	s23 =	simm.s32 $0x18900  }
0x117: {  	[tilespmem:s23], [sflag:$0x2] =	stream.indirect_vreg.gather [hbm4b:s3+s17], $0x80, v3, vm0, $0xb8;
	[tilespmem:$0x1DA00] =	vst v63  }
0x118: {  	v3 =	vld [tilespmem:s15+$0xB0];
	_ =	sdelay $0x4  }
0x119: {  	v4 =	vshll.u32 v3, $0x1  }
0x11a: {  	v3 =	vand.u32 $0x7, v3;
	v4 =	vand.u32 $0xFFFFFFF0, v4  }
0x11b: {  	v3 =	vor.u32 v3, v4  }
0x11c: {  	v4 =	vperm.xlane v3, v0;
	_ =	sdelay $0x1  }
0x11d: {  	v3 =	vperm.xlane v3, v2;
	v4 =	vadd.s32 v1, v4;
	_ =	sdelay $0x1  }
0x11e: {  	v3 =	vadd.s32 v1, v3;
	_ =	sdelay $0x1  }
0x11f: {  	s24 =	simm.s32 $0x19100  }
0x120: {  	[tilespmem:s24], [sflag:$0x2] =	stream.indirect_vreg.gather [hbm4b:s3+s17], $0x80, v4, vm0, $0xb8;
	[tilespmem:$0x1DA00] =	vst v63  }
0x121: {  	s25 =	simm.s32 $0x19900  }
0x122: {  	[tilespmem:s25], [sflag:$0x2] =	stream.indirect_vreg.gather [hbm4b:s3+s17], $0x80, v3, vm0, $0xb8;
	[tilespmem:$0x1DA00] =	vst v63  }
0x123: {  	v3 =	vld.msk [tilespmem:s15+$0xC0], $0xff;
	_ =	sdelay $0x4  }
0x124: {  	v4 =	vshll.u32 v3, $0x1  }
0x125: {  	v3 =	vand.u32 $0x7, v3;
	v4 =	vand.u32 $0xFFFFFFF0, v4  }
0x126: {  	v3 =	vor.u32 v3, v4  }
0x127: {  	v3 =	vperm.xlane v3, v0;
	_ =	sdelay $0x1  }
0x128: {  	v3 =	vadd.s32 v1, v3  }
0x129: {  	p0 =	por $0x1, $0x1;
	s26 =	simm.s32 $0x1A100;
	s28 =	simm.s32 $0x100  }
0x12a: {  	s0 =	sand.u32 $0x300, s28;
	s31 =	simm.s32 $0x400;
	s1 =	simm.s32 $0x600  }
0x12b: {  	s1 =	sand.u32 $0x1F800, s1;
	s7 =	sand.u32 $0x1F800, s31;
	s10 =	simm.s32 $0x300  }
0x12c: {  	s10 =	sand.u32 $0x300, s10;
	s16 =	simm.s32 $0x200;
	s18 =	simm.s32 $0x500  }
0x12d: {  	[tilespmem:s26], [sflag:$0x2] =	stream.indirect_vreg.gather [hbm4b:s3+s17], $0x80, v3, vm0, $0xb8;
	[tilespmem:$0x1DA00] =	vst v63  }
0x12e: {  	s18 =	sand.u32 $0x1F800, s18;
	s21 =	simm.s32 $0x280;
	_ =	swait.ge [sflag:s5], $0xC800  }
0x12f: {  	s20 =	simm.s32 $0x0;
	s21 =	sand.u32 $0x280, s21;
	[sflag:s5] =	ssyncset.done $0x0  }
0x130: {  	s22 =	sand.u32 $0x200, s16;
	s16 =	sor.u32 s10, s1;
	[sflag:s5] =	ssyncadd.s32 $0xFFFF3800  }
0x131: {  	s19 =	simm.s32 $0x1;
	s6 =	sand.u32 $0xF800, s20;
	s15 =	sor.u32 s21, s18;
	v7 =	vld [tilespmem:s16+$0x1D00]  }
0x132: {  	s19 =	simm.s32 @!p0 $0x0;
	s9 =	sadd.s32 $0x1900, s6;
	s1 =	sor.u32 s22, s7;
	v9 =	vld [tilespmem:s15+$0x1960]  }
0x133: {  	s19 =	sshll.u32 s19, $0x9;
	s12 =	sadd.s32 s0, s9;
	s10 =	simm.s32 $0x0;
	v8 =	vld [tilespmem:s1+$0x1940]  }
0x134: {  	s19 =	sadd.s32 $0x0, s19;
	s20 =	sand.u32 $0x200, s10;
	v10 =	vld [tilespmem:s12+$0x0]  }
0x135: {  	s0 =	sor.u32 s20, s9;
	s23 =	sadd.s32 $0x400, s19;
	v11 =	vld [tilespmem:s12+$0x10]  }
0x136: {  	s19 =	sor.u32 $0x420, s23;
	v12 =	vld [tilespmem:s0+$0x1A0]  }
0x137: {  	v13 =	vld [tilespmem:s19+$0x1900]  }
0x138: {  	s21 =	sor.u32 $0x430, s23;
	v14 =	vld [tilespmem:s0+$0x1B0]  }
0x139: {  	v15 =	vld [tilespmem:s21+$0x1900]  }
0x13a: {  	v16 =	vld [tilespmem:s1+$0x1950]  }
0x13b: {  	v17 =	vld [tilespmem:s15+$0x1970]  }
0x13c: {  	v18 =	vld [tilespmem:s16+$0x1D10]  }
0x13d: {  	s17 =	sand.u32 $0x3, s17;
	v19 =	vld [tilespmem:s0+$0x0]  }
0x13e: {  	s17 =	sshll.u32 s17, $0x8;
	v20 =	vld [tilespmem:s0+$0x10]  }
0x13f: {  	s17 =	sadd.s32 $0x0, s17;
	v25 =	vld [tilespmem:s0+$0x120]  }
0x140: {  	s17 =	sadd.s32 $0x100, s17;
	v26 =	vld [tilespmem:s0+$0x130]  }
0x141: {  	s28 =	simm.s32 $0x80;
	s24 =	sor.u32 $0x420, s17;
	v60 =	vld [tilespmem:s15+$0x1940]  }
0x142: {  	s31 =	sand.u32 $0x280, s28;
	s17 =	sor.u32 $0x430, s17;
	v6 =	vld [tilespmem:s24+$0x1900]  }
0x143: {  	v5 =	vld [tilespmem:s17+$0x1900];
	s17 =	sor.u32 s31, s9  }
0x144: {  	p1 =	por $0x0, $0x0;
	s20 =	simm.s32 $0x1;
	v21 =	vld [tilespmem:s17+$0x20]  }
0x145: {  	s6 =	simm.s32 $0x180;
	s20 =	simm.s32 @!p1 $0x0;
	v22 =	vld [tilespmem:s17+$0x30]  }
0x146: {  	s7 =	sand.u32 $0x380, s6;
	s22 =	sshll.u32 s20, $0x9;
	v23 =	vld [tilespmem:s17+$0x0]  }
0x147: {  	s19 =	sadd.s32 $0x0, s22;
	s9 =	sadd.s32 s7, s9;
	v24 =	vld [tilespmem:s17+$0x10]  }
0x148: {  	s19 =	sadd.s32 $0x180, s19;
	v28 =	vld [tilespmem:s9+$0x0]  }
0x149: {  	s25 =	sor.u32 $0x420, s19;
	v29 =	vld [tilespmem:s9+$0x10]  }
0x14a: {  	v4 =	vld [tilespmem:s25+$0x1900];
	v27 =	vmul.f32 v8, v13;
	v10 =	vmul.f32 v10, v13  }
0x14b: {  	v12 =	vmul.f32 v12, v13;
	v11 =	vmul.f32 v11, v15;
	v8 =	vld [tilespmem:s15+$0x1D20]  }
0x14c: {  	v14 =	vmul.f32 v14, v15;
	v30 =	vmul.f32 v7, v13;
	v7 =	vld [tilespmem:s15+$0x1D30]  }
0x14d: {  	s26 =	sor.u32 $0x430, s19;
	v9 =	vmul.f32 v9, v13;
	v13 =	vld [tilespmem:s1+$0x1920];
	v10 =	vmax.f32 v10, v12;
	v12 =	vmul.f32 v16, v15  }
0x14e: {  	v3 =	vld [tilespmem:s26+$0x1900];
	v11 =	vmax.f32 v11, v14;
	v14 =	vmul.f32 v18, v15;
	v16 =	vmul.f32 v20, v5  }
0x14f: {  	v18 =	vmul.f32 v22, v5;
	v22 =	vld [tilespmem:s0+$0x1C0];
	v10 =	vmax.f32 v10, v27;
	v11 =	vmax.f32 v11, v12  }
0x150: {  	v12 =	vmul.f32 v17, v15;
	v15 =	vld [tilespmem:s1+$0x1930];
	v9 =	vmax.f32 v10, v9;
	v10 =	vmul.f32 v19, v6  }
0x151: {  	v19 =	vld [tilespmem:s12+$0x50];
	v20 =	vmax.f32 v9, v30;
	v9 =	vmul.f32 v23, v4;
	v59 =	vmul.f32 v29, v7  }
0x152: {  	s22 =	simm.s32 $0xE0;
	v17 =	vld [tilespmem:s12+$0x40];
	v61 =	vmul.f32 v13, v8;
	v11 =	vmax.f32 v11, v12;
	v12 =	vmul.f32 v21, v6  }
0x153: {  	v58 =	vld [tilespmem:s0+$0x1D0];
	v18 =	vmax.f32 v16, v18;
	v21 =	vmul.f32 v24, v3;
	[tilespmem:s22+$0x1A860] =	vst v20;
	v20 =	vmul.f32 v60, v8  }
0x154: {  	s28 =	simm.s32 $0x40;
	s29 =	sor.u32 $0x400, s23;
	v23 =	vmax.f32 v11, v14;
	v11 =	vmul.f32 v25, v4;
	v14 =	vmul.f32 v26, v3  }
0x155: {  	s30 =	sor.u32 $0x410, s23;
	p1 =	por !p1, !p1;
	s20 =	simm.s32 $0x60;
	v16 =	vld [tilespmem:s9+$0x70];
	v22 =	vmul.f32 v22, v4;
	v10 =	vmax.f32 v10, v12;
	v12 =	vmul.f32 v28, v8  }
0x156: {  	s18 =	simm.s32 $0x380;
	s23 =	simm.s32 $0x2;
	s21 =	simm.s32 $0x0;
	v15 =	vmul.f32 v15, v7;
	v63 =	vmul.f32 v19, v5;
	v19 =	vld [tilespmem:s15+$0x1950]  }
0x157: {  	s24 =	sand.u32 $0x380, s18;
	s31 =	sor.u32 $0x50, s28;
	s19 =	simm.s32 $0x700;
	v13 =	vld [tilespmem:s9+$0x60];
	v62 =	vmax.f32 v9, v11;
	v11 =	vmul.f32 v17, v6;
	v9 =	vmax.f32 v21, v14  }
0x158: {  	s17 =	sshll.u32 s13, $0x1;
	s25 =	simm.s32 $0x20;
	s12 =	sand.u32 $0x1F800, s19;
	v21 =	vmul.f32 v58, v3;
	v14 =	vmax.f32 v12, v61;
	v12 =	vmax.f32 v18, v63;
	v18 =	vld [tilespmem:s1+$0x1960]  }
0x159: {  	s25 =	sor.u32 $0x30, s25;
	s26 =	sor.u32 s24, s12;
	s24 =	sor.u32 $0x70, s20;
	[tilespmem:s31+$0x1A900] =	vst v23;
	v17 =	vmax.f32 v59, v15;
	v11 =	vmax.f32 v10, v11;
	v10 =	vmax.f32 v62, v22;
	v15 =	vld [tilespmem:s1+$0x1970]  }
.LBB2_3:
0x15a: {  	s0 =	simm.s32 $0x1  }
0x15b: {  	s1 =	sand.u32 $0x3, s23;
	v9 =	vmax.f32 v9, v21;
	v19 =	vmul.f32 v19, v7;
	v21 =	vld [tilespmem:s16+$0x1960];
	s0 =	simm.s32 @!p1 $0x0  }
0x15c: {  	s18 =	sadd.s32 $0x200, s18;
	s10 =	sshll.u32 s1, $0x8;
	v13 =	vmul.f32 v13, v6;
	v14 =	vmax.f32 v14, v20;
	s0 =	sshll.u32 s0, $0x9;
	v20 =	vld [tilespmem:s16+$0x1970]  }
0x15d: {  	s19 =	sadd.s32 $0x400, s19;
	p0 =	por !p0, !p0;
	s12 =	simm.s32 $0x1;
	v16 =	vmul.f32 v16, v5;
	v17 =	vmax.f32 v17, v19;
	v22 =	vld [tilespmem:s29+$0x1900]  }
0x15e: {  	s1 =	sadd.s32 $0xFFFFFD80, s18;
	s28 =	sadd.s32 $0xFFFFFF80, s18;
	s16 =	sadd.s32 $0xFFFFFF00, s19;
	v11 =	vmax.f32 v11, v13;
	v18 =	vmul.f32 v18, v4;
	v13 =	vld [tilespmem:s30+$0x1900]  }
0x15f: {  	s31 =	sadd.s32 $0xFFFFFE00, s19;
	s29 =	sadd.s32 $0xFFFFFD00, s19;
	s30 =	sadd.s32 $0xFFFFFE80, s18;
	v12 =	vmax.f32 v12, v16;
	v15 =	vmul.f32 v15, v3;
	v16 =	vld [tilespmem:s15+$0x1D00]  }
0x160: {  	s12 =	simm.s32 @!p0 $0x0;
	s6 =	sadd.s32 $0xFFFFF900, s19;
	s7 =	sadd.s32 $0xFFFFFF00, s18;
	v10 =	vmax.f32 v10, v18;
	v19 =	vmul.f32 v21, v8;
	v18 =	vld [tilespmem:s15+$0x1D10]  }
0x161: {  	s30 =	sand.u32 $0x200, s30;
	s15 =	sand.u32 $0x1F800, s16;
	s16 =	sand.u32 $0x300, s28;
	v9 =	vmax.f32 v9, v15;
	v15 =	vmul.f32 v20, v7;
	v20 =	vld [tilespmem:s26+$0x1D00]  }
0x162: {  	s7 =	sand.u32 $0x280, s7;
	s28 =	sand.u32 $0x1F800, s31;
	s16 =	sor.u32 s16, s15;
	v14 =	vmax.f32 v14, v19;
	v6 =	vmul.f32 v22, v6;
	v19 =	vld [tilespmem:s26+$0x1D10]  }
0x163: {  	s29 =	sand.u32 $0x1F800, s29;
	s15 =	sor.u32 s7, s28;
	s26 =	sand.u32 $0xF800, s6;
	v21 =	vld [tilespmem:s16+$0x1D00];
	v5 =	vmul.f32 v13, v5;
	v13 =	vmax.f32 v17, v15  }
0x164: {  	s1 =	sand.u32 $0x300, s1;
	s28 =	sor.u32 s30, s29;
	s7 =	sadd.s32 $0x1900, s26;
	v15 =	vld [tilespmem:s15+$0x1960];
	v6 =	vmax.f32 v11, v6;
	v4 =	vmul.f32 v16, v4  }
0x165: {  	s12 =	sshll.u32 s12, $0x9;
	s26 =	sadd.s32 $0xFFFFFC80, s18;
	s31 =	sadd.s32 s1, s7;
	v11 =	vld [tilespmem:s28+$0x1940];
	v5 =	vmax.f32 v12, v5;
	[tilespmem:s22+$0x1A820] =	vst v6;
	v3 =	vmul.f32 v18, v3  }
0x166: {  	s21 =	sadd.s32 $0x4, s21;
	s12 =	sadd.s32 s6, s12;
	s1 =	sand.u32 $0x200, s26;
	v12 =	vld [tilespmem:s31+$0x0];
	[tilespmem:s22+$0x1A830] =	vst v5;
	v4 =	vmax.f32 v10, v4;
	v5 =	vmul.f32 v20, v8  }
0x167: {  	p2 =	slt.u32 s21, $0xC0;
	s12 =	sadd.s32 $0x400, s12;
	s1 =	sor.u32 s1, s7;
	v8 =	vld [tilespmem:s31+$0x10];
	v3 =	vmax.f32 v9, v3;
	[tilespmem:s22+$0x1A840] =	vst v4;
	v4 =	vmul.f32 v19, v7  }
0x168: {  	s0 =	sadd.s32 s6, s0;
	s6 =	sadd.s32 s6, s10;
	s10 =	sor.u32 $0x420, s12;
	v7 =	vld [tilespmem:s1+$0x1A0];
	[tilespmem:s25+$0x1A900] =	vst v3;
	v3 =	vmax.f32 v14, v5  }
0x169: {  	s6 =	sadd.s32 $0x100, s6;
	s26 =	sadd.s32 $0xFFFFFE00, s18;
	s25 =	sadd.s32 $0xFFFFFD00, s18;
	v9 =	vld [tilespmem:s10+$0x1900];
	v4 =	vmax.f32 v13, v4;
	[tilespmem:s22+$0x1A880] =	vst v3  }
0x16a: {  	s0 =	sadd.s32 $0x180, s0;
	s10 =	sand.u32 $0x280, s25;
	s22 =	sor.u32 $0x430, s12;
	v3 =	vld [tilespmem:s1+$0x1B0];
	[tilespmem:s24+$0x1A900] =	vst v4  }
0x16b: {  	s25 =	sand.u32 $0x380, s26;
	s24 =	sor.u32 $0x420, s6;
	s6 =	sor.u32 $0x430, s6;
	v10 =	vld [tilespmem:s22+$0x1900]  }
0x16c: {  	s9 =	sor.u32 $0x430, s0;
	s10 =	sor.u32 s10, s7;
	s22 =	sor.u32 $0x420, s0;
	v13 =	vld [tilespmem:s28+$0x1950]  }
0x16d: {  	s0 =	sadd.s32 s25, s7;
	s7 =	sand.u32 $0x1F800, s19;
	s25 =	sand.u32 $0x380, s18;
	v14 =	vld [tilespmem:s15+$0x1970]  }
0x16e: {  	s29 =	sor.u32 $0x400, s12;
	s30 =	sor.u32 $0x410, s12;
	s26 =	sor.u32 s25, s7;
	v11 =	vmul.f32 v11, v9;
	v16 =	vmul.f32 v21, v9;
	v17 =	vld [tilespmem:s16+$0x1D10]  }
0x16f: {  	v12 =	vmul.f32 v12, v9;
	v7 =	vmul.f32 v7, v9;
	v6 =	vld [tilespmem:s24+$0x1900]  }
0x170: {  	v5 =	vld [tilespmem:s6+$0x1900];
	v8 =	vmul.f32 v8, v10;
	v18 =	vmul.f32 v3, v10  }
0x171: {  	v9 =	vmul.f32 v15, v9;
	v7 =	vmax.f32 v12, v7;
	v4 =	vld [tilespmem:s22+$0x1900];
	v12 =	vmul.f32 v13, v10  }
0x172: {  	v7 =	vmax.f32 v7, v11;
	v3 =	vld [tilespmem:s9+$0x1900];
	v8 =	vmax.f32 v8, v18;
	v11 =	vmul.f32 v14, v10  }
0x173: {  	s20 =	sadd.s32 $0x80, s20;
	v7 =	vmax.f32 v7, v9;
	v13 =	vld [tilespmem:s1+$0x0];
	v8 =	vmax.f32 v8, v12;
	v9 =	vmul.f32 v17, v10  }
0x174: {  	s7 =	sadd.s32 $0xFFFFFFE0, s20;
	s6 =	sadd.s32 $0xFFFFFFC0, s20;
	s22 =	sshra.s32 s18, $0x2;
	v7 =	vmax.f32 v7, v16;
	v10 =	vld [tilespmem:s1+$0x10];
	v8 =	vmax.f32 v8, v11  }
0x175: {  	s24 =	sor.u32 $0x70, s20;
	s25 =	sor.u32 $0x30, s6;
	s6 =	sor.u32 $0x50, s7;
	v11 =	vld [tilespmem:s10+$0x20];
	v8 =	vmax.f32 v8, v9;
	[tilespmem:s22+$0x1A860] =	vst v7  }
0x176: {  	v7 =	vld [tilespmem:s10+$0x30];
	[tilespmem:s6+$0x1A900] =	vst v8  }
0x177: {  	v8 =	vld [tilespmem:s10+$0x0]  }
0x178: {  	v9 =	vmul.f32 v13, v6;
	v12 =	vld [tilespmem:s10+$0x10]  }
0x179: {  	v10 =	vmul.f32 v10, v5;
	v13 =	vld [tilespmem:s1+$0x120]  }
0x17a: {  	v11 =	vmul.f32 v11, v6;
	v14 =	vld [tilespmem:s1+$0x130]  }
0x17b: {  	v7 =	vmul.f32 v7, v5;
	v15 =	vld [tilespmem:s0+$0x0]  }
0x17c: {  	v11 =	vmax.f32 v9, v11;
	v9 =	vmul.f32 v8, v4;
	v16 =	vld [tilespmem:s0+$0x10]  }
0x17d: {  	v10 =	vmax.f32 v10, v7;
	v12 =	vmul.f32 v12, v3;
	v8 =	vld [tilespmem:s15+$0x1D20]  }
0x17e: {  	v13 =	vmul.f32 v13, v4;
	v7 =	vld [tilespmem:s15+$0x1D30]  }
0x17f: {  	v14 =	vmul.f32 v14, v3;
	v17 =	vld [tilespmem:s28+$0x1920]  }
0x180: {  	v20 =	vmax.f32 v9, v13;
	v13 =	vld [tilespmem:s28+$0x1930]  }
0x181: {  	v18 =	vld [tilespmem:s31+$0x40];
	v9 =	vmax.f32 v12, v14  }
0x182: {  	v12 =	vld [tilespmem:s31+$0x50];
	v14 =	vmul.f32 v15, v8  }
0x183: {  	v15 =	vld [tilespmem:s1+$0x1C0];
	v16 =	vmul.f32 v16, v7  }
0x184: {  	v21 =	vld [tilespmem:s1+$0x1D0];
	v17 =	vmul.f32 v17, v8  }
0x185: {  	v22 =	vmul.f32 v13, v7;
	v23 =	vld [tilespmem:s15+$0x1940]  }
.Ltmp0:
0x186: {  	v18 =	vmul.f32 v18, v6;
	v14 =	vmax.f32 v14, v17;
	v19 =	vld [tilespmem:s15+$0x1950];
	(pc) =	sbr.rel @p2 .LBB2_3-.Ltmp0, $4  }
0x187: {  	v12 =	vmul.f32 v12, v5;
	v13 =	vld [tilespmem:s0+$0x60];
	v17 =	vmax.f32 v16, v22  }
0x188: {  	v11 =	vmax.f32 v11, v18;
	v16 =	vld [tilespmem:s0+$0x70];
	v15 =	vmul.f32 v15, v4  }
0x189: {  	v12 =	vmax.f32 v10, v12;
	v21 =	vmul.f32 v21, v3;
	v18 =	vld [tilespmem:s28+$0x1960]  }
0x18a: {  	s23 =	sadd.s32 $0x2, s23;
	p1 =	por !p1, !p1;
	v10 =	vmax.f32 v20, v15;
	v15 =	vld [tilespmem:s28+$0x1970];
	v20 =	vmul.f32 v23, v8  }
0x18b: {  	v22 =	vld [tilespmem:s16+$0x1960]  }
0x18c: {  	v23 =	vld [tilespmem:s16+$0x1970]  }
0x18d: {  	v24 =	vld [tilespmem:s29+$0x1900]  }
0x18e: {  	v25 =	vld [tilespmem:s30+$0x1900]  }
0x18f: {  	v19 =	vmul.f32 v19, v7;
	v26 =	vld [tilespmem:s15+$0x1D00]  }
0x190: {  	v9 =	vmax.f32 v9, v21;
	v53 =	vld [tilespmem:s15+$0x1D10];
	v13 =	vmul.f32 v13, v6;
	v16 =	vmul.f32 v16, v5  }
0x191: {  	v54 =	vld [tilespmem:s26+$0x1D00];
	v14 =	vmax.f32 v14, v20;
	v17 =	vmax.f32 v17, v19;
	v18 =	vmul.f32 v18, v4  }
0x192: {  	v56 =	vld [tilespmem:s26+$0x1D10];
	v11 =	vmax.f32 v11, v13;
	v12 =	vmax.f32 v12, v16;
	v55 =	vmul.f32 v24, v6  }
0x193: {  	s0 =	rddreg [dreg:$0x4];
	v15 =	vmul.f32 v15, v3;
	v10 =	vmax.f32 v10, v18;
	v57 =	vmul.f32 v25, v5  }
0x194: {  	s0 =	sadd.s32 s0, s17;
	v58 =	vmul.f32 v22, v8;
	v59 =	vmul.f32 v26, v4;
	v6 =	vmax.f32 v11, v55  }
0x195: {  	s0 =	sshrl.u32 s0, $0x3;
	v3 =	vmul.f32 v53, v3;
	v60 =	vmul.f32 v23, v7;
	v5 =	vmax.f32 v12, v57;
	[tilespmem:s22+$0x1A820] =	vst v6  }
0x196: {  	s31 =	sshll.u32 s13, $0x8;
	s15 =	smul.u32 $0xC400, s0;
	v61 =	vmul.f32 v54, v8;
	v9 =	vmax.f32 v9, v15;
	v4 =	vmax.f32 v10, v59;
	[tilespmem:s22+$0x1A830] =	vst v5  }
0x197: {  	s0 =	sand.u32 $0x300, s31;
	v63 =	vmul.f32 v56, v7;
	v62 =	vmax.f32 v14, v58;
	v3 =	vmax.f32 v9, v3;
	[tilespmem:s22+$0x1A840] =	vst v4  }
0x198: {  	s1 =	simm.s32 $0x80;
	s0 =	sor.u32 s0, s15;
	v6 =	vmax.f32 v17, v60;
	[tilespmem:s25+$0x1A900] =	vst v3;
	v3 =	vmax.f32 v62, v61  }
0x199: {  	s6 =	simm.s32 $0x400;
	p0 =	seq.s32 s13, $0xF;
	s0 =	sshrl.u32 s0, $0x3;
	v4 =	vmax.f32 v6, v63;
	[tilespmem:s22+$0x1A880] =	vst v3  }
.Ltmp1:
0x19a: {  	s7 =	simm.s32 $0x1A900;
	s0 =	sadd.s32 s4, s0;
	[tilespmem:s24+$0x1A900] =	vst v4;
	(pc) =	sbr.rel @p0 .LBB2_6-.Ltmp1, $4  }
0x19b: {  	[hbm4b:s0+s1] =	stream.strided.scatter [tilespmem:s7], [sflag:$0x3], $0x1880, s6, s1, $0x38;
	[tilespmem:$0x1DA00] =	vst v63  }
0x19c: {  	_ =	swait.ge [sflag:s8], $0x1880  }
0x19d: {  	[sflag:s8] =	ssyncset.done $0x0  }
0x19e: {  	[sflag:s8] =	ssyncadd.s32 $0xFFFFE780  }
0x19f: {  	s0 =	smul.u32 $0x640, s13;
	_ =	sdelay $0x1  }
0x1a0: {  	s16 =	sshra.s32 s0, $0x2  }
0x1a1: {  	v3 =	vld [tilespmem:s16+$0x190];
	_ =	sdelay $0x4  }
0x1a2: {  	v4 =	vshll.u32 v3, $0x1  }
0x1a3: {  	v3 =	vand.u32 $0x7, v3;
	v4 =	vand.u32 $0xFFFFFFF0, v4  }
0x1a4: {  	v3 =	vor.u32 v3, v4  }
0x1a5: {  	v4 =	vperm.xlane v3, v0;
	_ =	sdelay $0x1  }
0x1a6: {  	v3 =	vperm.xlane v3, v2;
	v4 =	vadd.s32 v1, v4;
	_ =	sdelay $0x1  }
0x1a7: {  	v3 =	vadd.s32 v1, v3;
	_ =	sdelay $0x1  }
0x1a8: {  	s26 =	simm.s32 $0x1900  }
0x1a9: {  	[tilespmem:s26], [sflag:$0x1] =	stream.indirect_vreg.gather [hbm4b:s3+s2], $0x80, v4, vm0, $0xb8;
	[tilespmem:$0x1DA00] =	vst v63  }
0x1aa: {  	s28 =	simm.s32 $0x2100  }
0x1ab: {  	[tilespmem:s28], [sflag:$0x1] =	stream.indirect_vreg.gather [hbm4b:s3+s2], $0x80, v3, vm0, $0xb8;
	[tilespmem:$0x1DA00] =	vst v63  }
0x1ac: {  	v3 =	vld [tilespmem:s16+$0x1A0];
	_ =	sdelay $0x4  }
0x1ad: {  	v52 =	vshll.u32 v3, $0x1  }
0x1ae: {  	v3 =	vand.u32 $0x7, v3;
	v4 =	vand.u32 $0xFFFFFFF0, v52  }
0x1af: {  	v3 =	vor.u32 v3, v4  }
0x1b0: {  	v4 =	vperm.xlane v3, v0;
	_ =	sdelay $0x1  }
0x1b1: {  	v3 =	vperm.xlane v3, v2;
	v4 =	vadd.s32 v1, v4;
	_ =	sdelay $0x1  }
0x1b2: {  	v3 =	vadd.s32 v1, v3;
	_ =	sdelay $0x1  }
0x1b3: {  	s29 =	simm.s32 $0x2900  }
0x1b4: {  	[tilespmem:s29], [sflag:$0x1] =	stream.indirect_vreg.gather [hbm4b:s3+s2], $0x80, v4, vm0, $0xb8;
	[tilespmem:$0x1DA00] =	vst v63  }
0x1b5: {  	s30 =	simm.s32 $0x3100  }
0x1b6: {  	[tilespmem:s30], [sflag:$0x1] =	stream.indirect_vreg.gather [hbm4b:s3+s2], $0x80, v3, vm0, $0xb8;
	[tilespmem:$0x1DA00] =	vst v63  }
0x1b7: {  	v3 =	vld [tilespmem:s16+$0x1B0];
	_ =	sdelay $0x4  }
0x1b8: {  	v53 =	vshll.u32 v3, $0x1  }
0x1b9: {  	v3 =	vand.u32 $0x7, v3;
	v4 =	vand.u32 $0xFFFFFFF0, v53  }
0x1ba: {  	v3 =	vor.u32 v3, v4  }
0x1bb: {  	v4 =	vperm.xlane v3, v0;
	_ =	sdelay $0x1  }
0x1bc: {  	v3 =	vperm.xlane v3, v2;
	v4 =	vadd.s32 v1, v4;
	_ =	sdelay $0x1  }
0x1bd: {  	v3 =	vadd.s32 v1, v3;
	_ =	sdelay $0x1  }
0x1be: {  	s31 =	simm.s32 $0x3900  }
0x1bf: {  	[tilespmem:s31], [sflag:$0x1] =	stream.indirect_vreg.gather [hbm4b:s3+s2], $0x80, v4, vm0, $0xb8;
	[tilespmem:$0x1DA00] =	vst v63  }
0x1c0: {  	s1 =	simm.s32 $0x4100  }
0x1c1: {  	[tilespmem:s1], [sflag:$0x1] =	stream.indirect_vreg.gather [hbm4b:s3+s2], $0x80, v3, vm0, $0xb8;
	[tilespmem:$0x1DA00] =	vst v63  }
0x1c2: {  	v3 =	vld [tilespmem:s16+$0x1C0];
	_ =	sdelay $0x4  }
0x1c3: {  	v54 =	vshll.u32 v3, $0x1  }
0x1c4: {  	v3 =	vand.u32 $0x7, v3;
	v4 =	vand.u32 $0xFFFFFFF0, v54  }
0x1c5: {  	v3 =	vor.u32 v3, v4  }
0x1c6: {  	v4 =	vperm.xlane v3, v0;
	_ =	sdelay $0x1  }
0x1c7: {  	v3 =	vperm.xlane v3, v2;
	v4 =	vadd.s32 v1, v4;
	_ =	sdelay $0x1  }
0x1c8: {  	v3 =	vadd.s32 v1, v3;
	_ =	sdelay $0x1  }
0x1c9: {  	s6 =	simm.s32 $0x4900  }
0x1ca: {  	[tilespmem:s6], [sflag:$0x1] =	stream.indirect_vreg.gather [hbm4b:s3+s2], $0x80, v4, vm0, $0xb8;
	[tilespmem:$0x1DA00] =	vst v63  }
0x1cb: {  	s7 =	simm.s32 $0x5100  }
0x1cc: {  	[tilespmem:s7], [sflag:$0x1] =	stream.indirect_vreg.gather [hbm4b:s3+s2], $0x80, v3, vm0, $0xb8;
	[tilespmem:$0x1DA00] =	vst v63  }
0x1cd: {  	v3 =	vld [tilespmem:s16+$0x1D0];
	_ =	sdelay $0x4  }
0x1ce: {  	v55 =	vshll.u32 v3, $0x1  }
0x1cf: {  	v3 =	vand.u32 $0x7, v3;
	v4 =	vand.u32 $0xFFFFFFF0, v55  }
0x1d0: {  	v3 =	vor.u32 v3, v4  }
0x1d1: {  	v4 =	vperm.xlane v3, v0;
	_ =	sdelay $0x1  }
0x1d2: {  	v3 =	vperm.xlane v3, v2;
	v4 =	vadd.s32 v1, v4;
	_ =	sdelay $0x1  }
0x1d3: {  	v3 =	vadd.s32 v1, v3;
	_ =	sdelay $0x1  }
0x1d4: {  	s9 =	simm.s32 $0x5900  }
0x1d5: {  	[tilespmem:s9], [sflag:$0x1] =	stream.indirect_vreg.gather [hbm4b:s3+s2], $0x80, v4, vm0, $0xb8;
	[tilespmem:$0x1DA00] =	vst v63  }
0x1d6: {  	s10 =	simm.s32 $0x6100  }
0x1d7: {  	[tilespmem:s10], [sflag:$0x1] =	stream.indirect_vreg.gather [hbm4b:s3+s2], $0x80, v3, vm0, $0xb8;
	[tilespmem:$0x1DA00] =	vst v63  }
0x1d8: {  	v3 =	vld [tilespmem:s16+$0x1E0];
	_ =	sdelay $0x4  }
0x1d9: {  	v56 =	vshll.u32 v3, $0x1  }
0x1da: {  	v3 =	vand.u32 $0x7, v3;
	v4 =	vand.u32 $0xFFFFFFF0, v56  }
0x1db: {  	v3 =	vor.u32 v3, v4  }
0x1dc: {  	v4 =	vperm.xlane v3, v0;
	_ =	sdelay $0x1  }
0x1dd: {  	v3 =	vperm.xlane v3, v2;
	v4 =	vadd.s32 v1, v4;
	_ =	sdelay $0x1  }
0x1de: {  	v3 =	vadd.s32 v1, v3;
	_ =	sdelay $0x1  }
0x1df: {  	s12 =	simm.s32 $0x6900  }
0x1e0: {  	[tilespmem:s12], [sflag:$0x1] =	stream.indirect_vreg.gather [hbm4b:s3+s2], $0x80, v4, vm0, $0xb8;
	[tilespmem:$0x1DA00] =	vst v63  }
0x1e1: {  	s17 =	simm.s32 $0x7100  }
0x1e2: {  	[tilespmem:s17], [sflag:$0x1] =	stream.indirect_vreg.gather [hbm4b:s3+s2], $0x80, v3, vm0, $0xb8;
	[tilespmem:$0x1DA00] =	vst v63  }
0x1e3: {  	v3 =	vld [tilespmem:s16+$0x1F0];
	_ =	sdelay $0x4  }
0x1e4: {  	v57 =	vshll.u32 v3, $0x1  }
0x1e5: {  	v3 =	vand.u32 $0x7, v3;
	v4 =	vand.u32 $0xFFFFFFF0, v57  }
0x1e6: {  	v3 =	vor.u32 v3, v4  }
0x1e7: {  	v4 =	vperm.xlane v3, v0;
	_ =	sdelay $0x1  }
0x1e8: {  	v3 =	vperm.xlane v3, v2;
	v4 =	vadd.s32 v1, v4;
	_ =	sdelay $0x1  }
0x1e9: {  	v3 =	vadd.s32 v1, v3;
	_ =	sdelay $0x1  }
0x1ea: {  	s18 =	simm.s32 $0x7900  }
0x1eb: {  	[tilespmem:s18], [sflag:$0x1] =	stream.indirect_vreg.gather [hbm4b:s3+s2], $0x80, v4, vm0, $0xb8;
	[tilespmem:$0x1DA00] =	vst v63  }
0x1ec: {  	s19 =	simm.s32 $0x8100  }
0x1ed: {  	[tilespmem:s19], [sflag:$0x1] =	stream.indirect_vreg.gather [hbm4b:s3+s2], $0x80, v3, vm0, $0xb8;
	[tilespmem:$0x1DA00] =	vst v63  }
0x1ee: {  	v3 =	vld [tilespmem:s16+$0x200];
	_ =	sdelay $0x4  }
0x1ef: {  	v58 =	vshll.u32 v3, $0x1  }
0x1f0: {  	v3 =	vand.u32 $0x7, v3;
	v4 =	vand.u32 $0xFFFFFFF0, v58  }
0x1f1: {  	v3 =	vor.u32 v3, v4  }
0x1f2: {  	v4 =	vperm.xlane v3, v0;
	_ =	sdelay $0x1  }
0x1f3: {  	v3 =	vperm.xlane v3, v2;
	v4 =	vadd.s32 v1, v4;
	_ =	sdelay $0x1  }
0x1f4: {  	v3 =	vadd.s32 v1, v3;
	_ =	sdelay $0x1  }
0x1f5: {  	s20 =	simm.s32 $0x8900  }
0x1f6: {  	[tilespmem:s20], [sflag:$0x1] =	stream.indirect_vreg.gather [hbm4b:s3+s2], $0x80, v4, vm0, $0xb8;
	[tilespmem:$0x1DA00] =	vst v63  }
0x1f7: {  	s21 =	simm.s32 $0x9100  }
0x1f8: {  	[tilespmem:s21], [sflag:$0x1] =	stream.indirect_vreg.gather [hbm4b:s3+s2], $0x80, v3, vm0, $0xb8;
	[tilespmem:$0x1DA00] =	vst v63  }
0x1f9: {  	v3 =	vld [tilespmem:s16+$0x210];
	_ =	sdelay $0x4  }
0x1fa: {  	v59 =	vshll.u32 v3, $0x1  }
0x1fb: {  	v3 =	vand.u32 $0x7, v3;
	v4 =	vand.u32 $0xFFFFFFF0, v59  }
0x1fc: {  	v3 =	vor.u32 v3, v4  }
0x1fd: {  	v4 =	vperm.xlane v3, v0;
	_ =	sdelay $0x1  }
0x1fe: {  	v3 =	vperm.xlane v3, v2;
	v4 =	vadd.s32 v1, v4;
	_ =	sdelay $0x1  }
0x1ff: {  	v3 =	vadd.s32 v1, v3;
	_ =	sdelay $0x1  }
0x200: {  	s22 =	simm.s32 $0x9900  }
0x201: {  	[tilespmem:s22], [sflag:$0x1] =	stream.indirect_vreg.gather [hbm4b:s3+s2], $0x80, v4, vm0, $0xb8;
	[tilespmem:$0x1DA00] =	vst v63  }
0x202: {  	s23 =	simm.s32 $0xA100  }
0x203: {  	[tilespmem:s23], [sflag:$0x1] =	stream.indirect_vreg.gather [hbm4b:s3+s2], $0x80, v3, vm0, $0xb8;
	[tilespmem:$0x1DA00] =	vst v63  }
0x204: {  	v3 =	vld [tilespmem:s16+$0x220];
	_ =	sdelay $0x4  }
0x205: {  	v60 =	vshll.u32 v3, $0x1  }
0x206: {  	v3 =	vand.u32 $0x7, v3;
	v4 =	vand.u32 $0xFFFFFFF0, v60  }
0x207: {  	v3 =	vor.u32 v3, v4  }
0x208: {  	v4 =	vperm.xlane v3, v0;
	_ =	sdelay $0x1  }
0x209: {  	v3 =	vperm.xlane v3, v2;
	v4 =	vadd.s32 v1, v4;
	_ =	sdelay $0x1  }
0x20a: {  	v3 =	vadd.s32 v1, v3;
	_ =	sdelay $0x1  }
0x20b: {  	s24 =	simm.s32 $0xA900  }
0x20c: {  	[tilespmem:s24], [sflag:$0x1] =	stream.indirect_vreg.gather [hbm4b:s3+s2], $0x80, v4, vm0, $0xb8;
	[tilespmem:$0x1DA00] =	vst v63  }
0x20d: {  	s25 =	simm.s32 $0xB100  }
0x20e: {  	[tilespmem:s25], [sflag:$0x1] =	stream.indirect_vreg.gather [hbm4b:s3+s2], $0x80, v3, vm0, $0xb8;
	[tilespmem:$0x1DA00] =	vst v63  }
0x20f: {  	v3 =	vld [tilespmem:s16+$0x230];
	_ =	sdelay $0x4  }
0x210: {  	v61 =	vshll.u32 v3, $0x1  }
0x211: {  	v3 =	vand.u32 $0x7, v3;
	v4 =	vand.u32 $0xFFFFFFF0, v61  }
0x212: {  	v3 =	vor.u32 v3, v4  }
0x213: {  	v4 =	vperm.xlane v3, v0;
	_ =	sdelay $0x1  }
0x214: {  	v3 =	vperm.xlane v3, v2;
	v4 =	vadd.s32 v1, v4;
	_ =	sdelay $0x1  }
0x215: {  	v3 =	vadd.s32 v1, v3;
	_ =	sdelay $0x1  }
0x216: {  	s26 =	simm.s32 $0xB900  }
0x217: {  	[tilespmem:s26], [sflag:$0x1] =	stream.indirect_vreg.gather [hbm4b:s3+s2], $0x80, v4, vm0, $0xb8;
	[tilespmem:$0x1DA00] =	vst v63  }
0x218: {  	s28 =	simm.s32 $0xC100  }
0x219: {  	[tilespmem:s28], [sflag:$0x1] =	stream.indirect_vreg.gather [hbm4b:s3+s2], $0x80, v3, vm0, $0xb8;
	[tilespmem:$0x1DA00] =	vst v63  }
0x21a: {  	v3 =	vld [tilespmem:s16+$0x240];
	_ =	sdelay $0x4  }
0x21b: {  	v62 =	vshll.u32 v3, $0x1  }
0x21c: {  	v3 =	vand.u32 $0x7, v3;
	v4 =	vand.u32 $0xFFFFFFF0, v62  }
0x21d: {  	v3 =	vor.u32 v3, v4  }
0x21e: {  	v4 =	vperm.xlane v3, v0;
	_ =	sdelay $0x1  }
0x21f: {  	v3 =	vperm.xlane v3, v2;
	v4 =	vadd.s32 v1, v4;
	_ =	sdelay $0x1  }
0x220: {  	v3 =	vadd.s32 v1, v3;
	_ =	sdelay $0x1  }
0x221: {  	s29 =	simm.s32 $0xC900  }
0x222: {  	[tilespmem:s29], [sflag:$0x1] =	stream.indirect_vreg.gather [hbm4b:s3+s2], $0x80, v4, vm0, $0xb8;
	[tilespmem:$0x1DA00] =	vst v63  }
0x223: {  	s30 =	simm.s32 $0xD100  }
0x224: {  	[tilespmem:s30], [sflag:$0x1] =	stream.indirect_vreg.gather [hbm4b:s3+s2], $0x80, v3, vm0, $0xb8;
	[tilespmem:$0x1DA00] =	vst v63  }
0x225: {  	v3 =	vld.msk [tilespmem:s16+$0x250], $0xff;
	_ =	sdelay $0x4  }
0x226: {  	v63 =	vshll.u32 v3, $0x1  }
0x227: {  	v3 =	vand.u32 $0x7, v3;
	v4 =	vand.u32 $0xFFFFFFF0, v63  }
0x228: {  	v3 =	vor.u32 v3, v4  }
0x229: {  	v3 =	vperm.xlane v3, v0;
	_ =	sdelay $0x1  }
0x22a: {  	v3 =	vadd.s32 v1, v3;
	_ =	sdelay $0x3  }
0x22b: {  	s31 =	simm.s32 $0xD900  }
0x22c: {  	[tilespmem:s31], [sflag:$0x1] =	stream.indirect_vreg.gather [hbm4b:s3+s2], $0x80, v3, vm0, $0xb8;
	[tilespmem:$0x1DA00] =	vst v63  }
.LBB2_6:
0x22d: {  	_ =	swait.ge [sflag:s11], $0xC800  }
0x22e: {  	s1 =	simm.s32 $0x600;
	s6 =	simm.s32 $0x300;
	s7 =	simm.s32 $0x400  }
0x22f: {  	s9 =	simm.s32 $0x200;
	s10 =	simm.s32 $0x500;
	s16 =	simm.s32 $0x0  }
0x230: {  	s17 =	simm.s32 $0x280;
	[sflag:s11] =	ssyncset.done $0x0;
	s9 =	sand.u32 $0x200, s9  }
0x231: {  	s1 =	sand.u32 $0x1F800, s1;
	s6 =	sand.u32 $0x300, s6;
	s10 =	sand.u32 $0x1F800, s10  }
0x232: {  	s18 =	sand.u32 $0x280, s17;
	[sflag:s11] =	ssyncadd.s32 $0xFFFF3800;
	s17 =	sor.u32 s6, s1  }
0x233: {  	s24 =	sand.u32 $0xF800, s16;
	s25 =	sand.u32 $0x1F800, s7;
	s16 =	sor.u32 s18, s10;
	v7 =	vld [tilespmem:s17+$0xE500]  }
0x234: {  	s1 =	sor.u32 s9, s25;
	v9 =	vld [tilespmem:s16+$0xE160]  }
0x235: {  	v8 =	vld [tilespmem:s1+$0xE140]  }
0x236: {  	v16 =	vld [tilespmem:s1+$0xE150]  }
0x237: {  	s0 =	simm.s32 $0x100;
	v17 =	vld [tilespmem:s16+$0xE170]  }
0x238: {  	s0 =	sand.u32 $0x300, s0;
	s7 =	sadd.s32 $0xE100, s24;
	v18 =	vld [tilespmem:s17+$0xE510]  }
0x239: {  	s28 =	simm.s32 $0x0;
	s18 =	sadd.s32 s0, s7;
	v61 =	vld [tilespmem:s16+$0xE140]  }
0x23a: {  	s10 =	sand.u32 $0x200, s28;
	v10 =	vld [tilespmem:s18+$0x0]  }
0x23b: {  	s10 =	sor.u32 s10, s7;
	v11 =	vld [tilespmem:s18+$0x10]  }
0x23c: {  	p0 =	por $0x1, $0x1;
	s12 =	simm.s32 $0x1;
	v12 =	vld [tilespmem:s10+$0x1A0]  }
0x23d: {  	s12 =	simm.s32 @!p0 $0x0;
	v14 =	vld [tilespmem:s10+$0x1B0]  }
0x23e: {  	s19 =	simm.s32 $0x0;
	s26 =	sshll.u32 s12, $0x9;
	v19 =	vld [tilespmem:s10+$0x0]  }
0x23f: {  	s20 =	sand.u32 $0x3, s19;
	s31 =	sadd.s32 $0x0, s26;
	v20 =	vld [tilespmem:s10+$0x10]  }
0x240: {  	s6 =	sshll.u32 s20, $0x8;
	s0 =	sadd.s32 $0x400, s31;
	v25 =	vld [tilespmem:s10+$0x120]  }
0x241: {  	s6 =	sadd.s32 $0x0, s6;
	v26 =	vld [tilespmem:s10+$0x130];
	s12 =	sor.u32 $0x420, s0  }
0x242: {  	s6 =	sadd.s32 $0x100, s6;
	s21 =	sor.u32 $0x430, s0;
	v13 =	vld [tilespmem:s12+$0xE100]  }
0x243: {  	s26 =	simm.s32 $0x80;
	s23 =	sor.u32 $0x420, s6;
	v15 =	vld [tilespmem:s21+$0xE100]  }
0x244: {  	s28 =	sand.u32 $0x280, s26;
	s6 =	sor.u32 $0x430, s6;
	v6 =	vld [tilespmem:s23+$0xE100]  }
0x245: {  	v5 =	vld [tilespmem:s6+$0xE100];
	s6 =	sor.u32 s28, s7  }
0x246: {  	v21 =	vld [tilespmem:s6+$0x20]  }
0x247: {  	p1 =	por $0x0, $0x0;
	s12 =	simm.s32 $0x1;
	v22 =	vld [tilespmem:s6+$0x30]  }
0x248: {  	s12 =	simm.s32 @!p1 $0x0;
	v23 =	vld [tilespmem:s6+$0x0]  }
0x249: {  	v24 =	vld [tilespmem:s6+$0x10];
	s22 =	sshll.u32 s12, $0x9  }
0x24a: {  	s9 =	sadd.s32 $0x0, s22;
	v27 =	vmul.f32 v8, v13;
	v8 =	vld [tilespmem:s16+$0xE520]  }
0x24b: {  	s9 =	sadd.s32 $0x180, s9;
	v10 =	vmul.f32 v10, v13;
	v30 =	vmul.f32 v7, v13;
	v7 =	vld [tilespmem:s16+$0xE530]  }
0x24c: {  	s31 =	simm.s32 $0x180;
	s24 =	sor.u32 $0x420, s9;
	v12 =	vmul.f32 v12, v13;
	v9 =	vmul.f32 v9, v13;
	v13 =	vld [tilespmem:s1+$0xE120]  }
0x24d: {  	s25 =	sor.u32 $0x430, s9;
	s9 =	sand.u32 $0x380, s31;
	v4 =	vld [tilespmem:s24+$0xE100]  }
0x24e: {  	v11 =	vmul.f32 v11, v15;
	v14 =	vmul.f32 v14, v15;
	v3 =	vld [tilespmem:s25+$0xE100];
	s23 =	sadd.s32 s9, s7  }
0x24f: {  	v28 =	vld [tilespmem:s23+$0x0];
	v10 =	vmax.f32 v10, v12;
	v12 =	vmul.f32 v16, v15  }
0x250: {  	v29 =	vld [tilespmem:s23+$0x10];
	v11 =	vmax.f32 v11, v14;
	v14 =	vmul.f32 v18, v15;
	v18 =	vmul.f32 v22, v5  }
0x251: {  	v22 =	vld [tilespmem:s10+$0x1C0];
	v10 =	vmax.f32 v10, v27;
	v11 =	vmax.f32 v11, v12;
	v12 =	vmul.f32 v17, v15  }
0x252: {  	v16 =	vmul.f32 v20, v5;
	v15 =	vld [tilespmem:s1+$0xE130];
	v9 =	vmax.f32 v10, v9;
	v10 =	vmul.f32 v19, v6  }
0x253: {  	v19 =	vld [tilespmem:s18+$0x50];
	v13 =	vmul.f32 v13, v8;
	v11 =	vmax.f32 v11, v12;
	v12 =	vmul.f32 v21, v6  }
0x254: {  	s22 =	simm.s32 $0xE0;
	v17 =	vld [tilespmem:s18+$0x40];
	v20 =	vmax.f32 v9, v30;
	v9 =	vmul.f32 v23, v4;
	v21 =	vmul.f32 v24, v3  }
0x255: {  	v59 =	vld [tilespmem:s10+$0x1D0];
	v18 =	vmax.f32 v16, v18;
	v58 =	vmul.f32 v26, v3;
	[tilespmem:s22+$0x1C0E0] =	vst v20;
	v20 =	vmul.f32 v61, v8  }
0x256: {  	s19 =	simm.s32 $0x700;
	v23 =	vmax.f32 v11, v14;
	v11 =	vmul.f32 v25, v4;
	v60 =	vmul.f32 v29, v7  }
0x257: {  	s20 =	simm.s32 $0x60;
	s30 =	sor.u32 $0x400, s0;
	s29 =	sor.u32 $0x410, s0;
	v16 =	vld [tilespmem:s23+$0x60];
	v22 =	vmul.f32 v22, v4;
	v10 =	vmax.f32 v10, v12;
	v12 =	vmul.f32 v28, v8  }
0x258: {  	s21 =	simm.s32 $0x0;
	s28 =	simm.s32 $0x40;
	p1 =	por !p1, !p1;
	v14 =	vld [tilespmem:s16+$0xE150];
	v15 =	vmul.f32 v15, v7;
	v63 =	vmul.f32 v19, v5  }
0x259: {  	s12 =	sand.u32 $0x1F800, s19;
	s25 =	simm.s32 $0x20;
	s18 =	simm.s32 $0x380;
	v62 =	vmax.f32 v9, v11;
	v11 =	vmul.f32 v17, v6;
	v9 =	vmax.f32 v21, v58;
	v19 =	vld [tilespmem:s23+$0x70]  }
0x25a: {  	s31 =	sor.u32 $0x50, s28;
	s25 =	sor.u32 $0x30, s25;
	s24 =	sand.u32 $0x380, s18;
	v21 =	vmul.f32 v59, v3;
	v13 =	vmax.f32 v12, v13;
	v12 =	vmax.f32 v18, v63;
	v18 =	vld [tilespmem:s1+$0xE160]  }
0x25b: {  	s26 =	sor.u32 s24, s12;
	s24 =	sor.u32 $0x70, s20;
	[tilespmem:s31+$0x1C180] =	vst v23;
	s23 =	simm.s32 $0x2;
	v17 =	vmax.f32 v60, v15;
	v11 =	vmax.f32 v10, v11;
	v10 =	vmax.f32 v62, v22;
	v15 =	vld [tilespmem:s1+$0xE170]  }
.LBB2_7:
0x25c: {  	s0 =	simm.s32 $0x1  }
0x25d: {  	s1 =	sand.u32 $0x3, s23;
	v9 =	vmax.f32 v9, v21;
	v14 =	vmul.f32 v14, v7;
	v21 =	vld [tilespmem:s17+$0xE160];
	s0 =	simm.s32 @!p1 $0x0  }
0x25e: {  	s18 =	sadd.s32 $0x200, s18;
	s10 =	sshll.u32 s1, $0x8;
	v16 =	vmul.f32 v16, v6;
	v13 =	vmax.f32 v13, v20;
	s0 =	sshll.u32 s0, $0x9;
	v20 =	vld [tilespmem:s17+$0xE170]  }
0x25f: {  	s19 =	sadd.s32 $0x400, s19;
	p0 =	por !p0, !p0;
	s1 =	sadd.s32 $0xFFFFFD80, s18;
	v19 =	vmul.f32 v19, v5;
	v14 =	vmax.f32 v17, v14;
	v22 =	vld [tilespmem:s30+$0xE100]  }
0x260: {  	s6 =	sadd.s32 $0xFFFFFF00, s19;
	s7 =	sadd.s32 $0xFFFFFF80, s18;
	s9 =	sadd.s32 $0xFFFFFD00, s19;
	v11 =	vmax.f32 v11, v16;
	v17 =	vmul.f32 v18, v4;
	v16 =	vld [tilespmem:s29+$0xE100]  }
0x261: {  	s12 =	sadd.s32 $0xFFFFFE80, s18;
	s17 =	sadd.s32 $0xFFFFFE00, s19;
	v12 =	vmax.f32 v12, v19;
	v15 =	vmul.f32 v15, v3;
	s29 =	simm.s32 $0x1;
	v18 =	vld [tilespmem:s16+$0xE500]  }
0x262: {  	s28 =	sadd.s32 $0xFFFFFF00, s18;
	s30 =	sadd.s32 $0xFFFFF900, s19;
	s29 =	simm.s32 @!p0 $0x0;
	v10 =	vmax.f32 v10, v17;
	v19 =	vmul.f32 v21, v8;
	v17 =	vld [tilespmem:s16+$0xE510]  }
0x263: {  	s12 =	sand.u32 $0x200, s12;
	s6 =	sand.u32 $0x1F800, s6;
	s7 =	sand.u32 $0x300, s7;
	v9 =	vmax.f32 v9, v15;
	v15 =	vmul.f32 v20, v7;
	v20 =	vld [tilespmem:s26+$0xE500]  }
0x264: {  	s28 =	sand.u32 $0x280, s28;
	s16 =	sand.u32 $0x1F800, s17;
	s17 =	sor.u32 s7, s6;
	v13 =	vmax.f32 v13, v19;
	v6 =	vmul.f32 v22, v6;
	v19 =	vld [tilespmem:s26+$0xE510]  }
0x265: {  	s6 =	sand.u32 $0xF800, s30;
	s7 =	sand.u32 $0x1F800, s9;
	s16 =	sor.u32 s28, s16;
	v21 =	vld [tilespmem:s17+$0xE500];
	v5 =	vmul.f32 v16, v5;
	v14 =	vmax.f32 v14, v15  }
0x266: {  	s1 =	sand.u32 $0x300, s1;
	s6 =	sadd.s32 $0xE100, s6;
	s28 =	sor.u32 s12, s7;
	v15 =	vld [tilespmem:s16+$0xE160];
	v6 =	vmax.f32 v11, v6;
	v4 =	vmul.f32 v18, v4  }
0x267: {  	s9 =	sadd.s32 $0xFFFFFC80, s18;
	s7 =	sshll.u32 s29, $0x9;
	s31 =	sadd.s32 s1, s6;
	v11 =	vld [tilespmem:s28+$0xE140];
	v5 =	vmax.f32 v12, v5;
	[tilespmem:s22+$0x1C0A0] =	vst v6;
	v3 =	vmul.f32 v17, v3  }
0x268: {  	s21 =	sadd.s32 $0x4, s21;
	s7 =	sadd.s32 s30, s7;
	s1 =	sand.u32 $0x200, s9;
	v12 =	vld [tilespmem:s31+$0x0];
	[tilespmem:s22+$0x1C0B0] =	vst v5;
	v4 =	vmax.f32 v10, v4;
	v5 =	vmul.f32 v20, v8  }
0x269: {  	p2 =	slt.u32 s21, $0xC0;
	s1 =	sor.u32 s1, s6;
	s7 =	sadd.s32 $0x400, s7;
	v8 =	vld [tilespmem:s31+$0x10];
	v3 =	vmax.f32 v9, v3;
	[tilespmem:s22+$0x1C0C0] =	vst v4;
	v4 =	vmul.f32 v19, v7  }
0x26a: {  	s0 =	sadd.s32 s30, s0;
	s9 =	sadd.s32 s30, s10;
	s10 =	sor.u32 $0x420, s7;
	v7 =	vld [tilespmem:s1+$0x1A0];
	[tilespmem:s25+$0x1C180] =	vst v3;
	v3 =	vmax.f32 v13, v5  }
0x26b: {  	s12 =	sadd.s32 $0xFFFFFD00, s18;
	s9 =	sadd.s32 $0x100, s9;
	s25 =	sadd.s32 $0xFFFFFE00, s18;
	v9 =	vld [tilespmem:s10+$0xE100];
	v4 =	vmax.f32 v14, v4;
	[tilespmem:s22+$0x1C100] =	vst v3  }
0x26c: {  	s0 =	sadd.s32 $0x180, s0;
	s10 =	sand.u32 $0x280, s12;
	s12 =	sor.u32 $0x430, s7;
	v3 =	vld [tilespmem:s1+$0x1B0];
	[tilespmem:s24+$0x1C180] =	vst v4  }
0x26d: {  	s22 =	sor.u32 $0x420, s9;
	s9 =	sor.u32 $0x430, s9;
	s24 =	sand.u32 $0x380, s25;
	v10 =	vld [tilespmem:s12+$0xE100]  }
0x26e: {  	s10 =	sor.u32 s10, s6;
	s25 =	sor.u32 $0x430, s0;
	s12 =	sor.u32 $0x420, s0;
	v13 =	vld [tilespmem:s28+$0xE150]  }
0x26f: {  	s0 =	sadd.s32 s24, s6;
	s6 =	sand.u32 $0x1F800, s19;
	s24 =	sand.u32 $0x380, s18;
	v14 =	vld [tilespmem:s16+$0xE170]  }
0x270: {  	s30 =	sor.u32 $0x400, s7;
	s29 =	sor.u32 $0x410, s7;
	s26 =	sor.u32 s24, s6;
	v11 =	vmul.f32 v11, v9;
	v16 =	vmul.f32 v21, v9;
	v17 =	vld [tilespmem:s17+$0xE510]  }
0x271: {  	v12 =	vmul.f32 v12, v9;
	v7 =	vmul.f32 v7, v9;
	v6 =	vld [tilespmem:s22+$0xE100]  }
0x272: {  	v5 =	vld [tilespmem:s9+$0xE100];
	v8 =	vmul.f32 v8, v10;
	v18 =	vmul.f32 v3, v10  }
0x273: {  	v9 =	vmul.f32 v15, v9;
	v7 =	vmax.f32 v12, v7;
	v4 =	vld [tilespmem:s12+$0xE100];
	v12 =	vmul.f32 v13, v10  }
0x274: {  	v7 =	vmax.f32 v7, v11;
	v3 =	vld [tilespmem:s25+$0xE100];
	v8 =	vmax.f32 v8, v18;
	v11 =	vmul.f32 v14, v10  }
0x275: {  	s20 =	sadd.s32 $0x80, s20;
	v7 =	vmax.f32 v7, v9;
	v13 =	vld [tilespmem:s1+$0x0];
	v8 =	vmax.f32 v8, v12;
	v9 =	vmul.f32 v17, v10  }
0x276: {  	s7 =	sadd.s32 $0xFFFFFFE0, s20;
	s6 =	sadd.s32 $0xFFFFFFC0, s20;
	s22 =	sshra.s32 s18, $0x2;
	v7 =	vmax.f32 v7, v16;
	v10 =	vld [tilespmem:s1+$0x10];
	v8 =	vmax.f32 v8, v11  }
0x277: {  	s24 =	sor.u32 $0x70, s20;
	s25 =	sor.u32 $0x30, s6;
	s6 =	sor.u32 $0x50, s7;
	v11 =	vld [tilespmem:s10+$0x20];
	v8 =	vmax.f32 v8, v9;
	[tilespmem:s22+$0x1C0E0] =	vst v7  }
0x278: {  	v7 =	vld [tilespmem:s10+$0x30];
	[tilespmem:s6+$0x1C180] =	vst v8  }
0x279: {  	v8 =	vld [tilespmem:s10+$0x0]  }
0x27a: {  	v9 =	vmul.f32 v13, v6;
	v12 =	vld [tilespmem:s10+$0x10]  }
0x27b: {  	v10 =	vmul.f32 v10, v5;
	v13 =	vld [tilespmem:s1+$0x120]  }
0x27c: {  	v11 =	vmul.f32 v11, v6;
	v14 =	vld [tilespmem:s1+$0x130]  }
0x27d: {  	v7 =	vmul.f32 v7, v5;
	v15 =	vld [tilespmem:s0+$0x0]  }
0x27e: {  	v11 =	vmax.f32 v9, v11;
	v9 =	vmul.f32 v8, v4;
	v16 =	vld [tilespmem:s0+$0x10]  }
0x27f: {  	v10 =	vmax.f32 v10, v7;
	v12 =	vmul.f32 v12, v3;
	v8 =	vld [tilespmem:s16+$0xE520]  }
0x280: {  	v13 =	vmul.f32 v13, v4;
	v7 =	vld [tilespmem:s16+$0xE530]  }
0x281: {  	v14 =	vmul.f32 v14, v3;
	v17 =	vld [tilespmem:s28+$0xE120]  }
0x282: {  	v20 =	vmax.f32 v9, v13;
	v13 =	vld [tilespmem:s28+$0xE130]  }
0x283: {  	v18 =	vld [tilespmem:s31+$0x40];
	v9 =	vmax.f32 v12, v14  }
0x284: {  	v12 =	vld [tilespmem:s31+$0x50];
	v14 =	vmul.f32 v15, v8  }
0x285: {  	v15 =	vld [tilespmem:s1+$0x1C0];
	v19 =	vmul.f32 v16, v7  }
0x286: {  	v21 =	vld [tilespmem:s1+$0x1D0];
	v16 =	vmul.f32 v17, v8  }
0x287: {  	v17 =	vmul.f32 v13, v7;
	v22 =	vld [tilespmem:s16+$0xE140]  }
.Ltmp2:
0x288: {  	v18 =	vmul.f32 v18, v6;
	v13 =	vmax.f32 v14, v16;
	v14 =	vld [tilespmem:s16+$0xE150];
	(pc) =	sbr.rel @p2 .LBB2_7-.Ltmp2, $4  }
0x289: {  	v12 =	vmul.f32 v12, v5;
	v16 =	vld [tilespmem:s0+$0x60];
	v17 =	vmax.f32 v19, v17  }
0x28a: {  	v11 =	vmax.f32 v11, v18;
	v19 =	vld [tilespmem:s0+$0x70];
	v15 =	vmul.f32 v15, v4  }
0x28b: {  	v12 =	vmax.f32 v10, v12;
	v21 =	vmul.f32 v21, v3;
	v18 =	vld [tilespmem:s28+$0xE160]  }
0x28c: {  	s23 =	sadd.s32 $0x2, s23;
	p1 =	por !p1, !p1;
	v10 =	vmax.f32 v20, v15;
	v15 =	vld [tilespmem:s28+$0xE170];
	v20 =	vmul.f32 v22, v8  }
0x28d: {  	v22 =	vld [tilespmem:s17+$0xE160]  }
0x28e: {  	v23 =	vld [tilespmem:s17+$0xE170]  }
0x28f: {  	v24 =	vld [tilespmem:s30+$0xE100]  }
0x290: {  	v25 =	vld [tilespmem:s29+$0xE100]  }
0x291: {  	v14 =	vmul.f32 v14, v7;
	v26 =	vld [tilespmem:s16+$0xE500]  }
0x292: {  	v9 =	vmax.f32 v9, v21;
	v52 =	vld [tilespmem:s16+$0xE510];
	v16 =	vmul.f32 v16, v6;
	v19 =	vmul.f32 v19, v5  }
0x293: {  	v54 =	vld [tilespmem:s26+$0xE500];
	v13 =	vmax.f32 v13, v20;
	v14 =	vmax.f32 v17, v14;
	v53 =	vmul.f32 v18, v4  }
0x294: {  	v56 =	vld [tilespmem:s26+$0xE510];
	v11 =	vmax.f32 v11, v16;
	v12 =	vmax.f32 v12, v19;
	v55 =	vmul.f32 v24, v6  }
0x295: {  	v15 =	vmul.f32 v15, v3;
	v10 =	vmax.f32 v10, v53;
	v57 =	vmul.f32 v25, v5  }
0x296: {  	v58 =	vmul.f32 v22, v8;
	v59 =	vmul.f32 v26, v4;
	v6 =	vmax.f32 v11, v55  }
0x297: {  	v3 =	vmul.f32 v52, v3;
	v60 =	vmul.f32 v23, v7;
	v5 =	vmax.f32 v12, v57;
	[tilespmem:s22+$0x1C0A0] =	vst v6  }
0x298: {  	s0 =	sshll.u32 s14, $0x7;
	v61 =	vmul.f32 v54, v8;
	v9 =	vmax.f32 v9, v15;
	v4 =	vmax.f32 v10, v59;
	[tilespmem:s22+$0x1C0B0] =	vst v5  }
0x299: {  	s0 =	sand.u32 $0x380, s0;
	v63 =	vmul.f32 v56, v7;
	v62 =	vmax.f32 v13, v58;
	v3 =	vmax.f32 v9, v3;
	[tilespmem:s22+$0x1C0C0] =	vst v4  }
0x29a: {  	s1 =	simm.s32 $0x80;
	s13 =	sadd.s32 $0x1, s13;
	s0 =	sor.u32 s0, s15;
	v6 =	vmax.f32 v14, v60;
	[tilespmem:s25+$0x1C180] =	vst v3;
	v3 =	vmax.f32 v62, v61  }
0x29b: {  	s6 =	simm.s32 $0x400;
	p0 =	sne.s32 s13, $0x10;
	s0 =	sshrl.u32 s0, $0x3;
	v4 =	vmax.f32 v6, v63;
	[tilespmem:s22+$0x1C100] =	vst v3  }
.Ltmp3:
0x29c: {  	s7 =	simm.s32 $0x1C180;
	s0 =	sadd.s32 s4, s0;
	[tilespmem:s24+$0x1C180] =	vst v4;
	(pc) =	sbr.rel @p0 .LBB2_2-.Ltmp3, $4  }
0x29d: {  	[hbm4b:s0+s1] =	stream.strided.scatter [tilespmem:s7], [sflag:$0x3], $0x1880, s6, s1, $0x38;
	[tilespmem:$0x1DA00] =	vst v63  }
0x29e: {  	_ =	swait.ge [sflag:s8], $0x1880  }
0x29f: {  	[sflag:s8] =	ssyncset.done $0x0  }
0x2a0: {  	[sflag:s8] =	ssyncadd.s32 $0xFFFFE780  }
0x2a1: {  	s1 =	rddreg [dreg:$0x6]  }
0x2a2: {  	s0 =	rddreg [dreg:$0x5];
	s1 =	sadd.s32 $0x1, s1  }
0x2a3: {  	p0 =	sne.s32 s1, s0  }
.Ltmp4:
0x2a4: {  	_ = 	snop;
	(pc) =	sbr.rel @p0 .LBB2_1-.Ltmp4, $1  }
0x2a5: {  	_ =	sdelay $0x3  }
0x2a6: {  	_ =	sfence.sel $0x180000  }
0x2a7: {  	[bflag:$0x0] =	sbarrier.arrive $0xFFFF  }
0x2a8: {  	_ =	strace $0x90000047  }
0x2a9: {  	s0 =	stileid.u32;
	[bflag:$0x2] =	sbarrier.arrive $0xFFFF  }
0x2aa: {  	p0 =	sne.s32 s0, $0x0;
	s0 =	rddreg [dreg:$0x2]  }
0x2ab: {  	s0 =	sadd.s32 @!p0 $0x100000, s0  }
0x2ac: {  	[sflag:s0] =	ssyncadd.tile.s32 @!p0 $0x1;
	_ =	shalt  }
.Lfunc_end2:
_tile_overlayer_lowered:
.L_overlay_start_2:
0x2ad: {  	(tag) =	ssettag $0x2  }
0x2ae: {  	s0 =	rddreg [dreg:$0x0];
	s2 =	stileid.u32  }
0x2af: {  	s1 =	rddreg [dreg:$0x1];
	p0 =	sne.s32 s2, $0x0  }
0x2b0: {  	s3 =	rddreg [dreg:$0x2];
	[bflag:$0x3] =	sbarrier.arrive $0xFFFF;
	s2 =	simm.s32 @!p0 $0x1C03  }
0x2b1: {  	[timem:s3], [sflag:s2] =	dma.local @!p0 [hbm:s0], s1  }
0x2b2: {  	s0 =	simm.s32 @!p0 $0x3  }
0x2b3: {  	_ =	swait.ge @!p0 [sflag:s0], s1  }
0x2b4: {  	s1 =	ssub.s32 @!p0 $0x0, s1;
	[sflag:s0] =	ssyncset.done @!p0 $0x0  }
0x2b5: {  	[sflag:s0] =	ssyncadd.s32 @!p0 s1  }
0x2b6: {  	[bflag:$0x3] =	sbarrier.arrive $0xFFFF  }
0x2b7: {  	_ =	shalt  }

</sc_bundles>
